<compile_context>
chip_gen: v7x
topology: tpu7x:2x2x1
jax: 0.10.2.dev20260603
libtpu: 0.0.44.dev20260713+nightly
codegen_flags: <defaults>
</compile_context>

<pallas_src>
import functools

import jax
import jax.numpy as jnp
from jax import lax
from jax.experimental import pallas as pl
from jax.experimental.pallas import tpu as pltpu
from jax.experimental.pallas import tpu_sc as plsc

N = 2097152
TABLE_SIZE = 123
TABLE_PAD = 128

_info = plsc.get_sparse_core_info()
_NC, _NS, _L = _info.num_cores, _info.num_subcores, _info.num_lanes
_NW = _NC * _NS
N_PER_W = N // _NW
CHUNK = 16384
SCHED = [8192, 16384, 16384, 16384, 8192]
UNROLL = 8


def _make_sc_kernel():
    mesh = plsc.VectorSubcoreMesh(core_axis_name="c", subcore_axis_name="s")

    @functools.partial(
        pl.kernel,
        mesh=mesh,
        out_type=jax.ShapeDtypeStruct((N,), jnp.float32),
        compiler_params=pltpu.CompilerParams(
            needs_layout_passes=False,
            disable_bounds_checks=True,
            disable_semaphore_checks=True,
            skip_device_barrier=True,
            use_tc_tiling_on_sc=False,
        ),
        scratch_types=[
            pltpu.VMEM((TABLE_PAD,), jnp.float32),
            pltpu.VMEM((2, CHUNK), jnp.int32),
            pltpu.VMEM((2, CHUNK), jnp.float32),
            pltpu.SemaphoreType.DMA,
            pltpu.SemaphoreType.DMA,
            pltpu.SemaphoreType.DMA,
            pltpu.SemaphoreType.DMA,
        ],
    )
    def gather_kernel(
        idx_hbm, table_hbm, out_hbm, table_v, idx_v, out_v, is0, is1, os0, os1
    ):
        wid = lax.axis_index("s") * _NC + lax.axis_index("c")
        base = wid * N_PER_W
        isems = (is0, is1)
        osems = (os0, os1)
        offs = [0]
        for sz in SCHED:
            offs.append(offs[-1] + sz)
        in_h = [None, None]
        out_h = [None, None]
        in_h[0] = pltpu.async_copy(
            idx_hbm.at[pl.ds(base + offs[0], SCHED[0])],
            idx_v.at[0, pl.ds(0, SCHED[0])],
            isems[0],
        )
        in_h[1] = pltpu.async_copy(
            idx_hbm.at[pl.ds(base + offs[1], SCHED[1])],
            idx_v.at[1, pl.ds(0, SCHED[1])],
            isems[1],
        )
        pltpu.sync_copy(table_hbm, table_v.at[pl.ds(0, TABLE_SIZE)])
        for ci, sz in enumerate(SCHED):
            b = ci % 2
            in_h[b].wait()
            if out_h[b] is not None:
                out_h[b].wait()

            @plsc.parallel_loop(0, sz // _L, unroll=UNROLL)
            def _body(i, _b=b):
                o = i * _L
                idx = idx_v[_b, pl.ds(o, _L)]
                out_v[_b, pl.ds(o, _L)] = plsc.load_gather(table_v, [idx])

            if ci + 2 < len(SCHED):
                in_h[b] = pltpu.async_copy(
                    idx_hbm.at[pl.ds(base + offs[ci + 2], SCHED[ci + 2])],
                    idx_v.at[b, pl.ds(0, SCHED[ci + 2])],
                    isems[b],
                )
            out_h[b] = pltpu.async_copy(
                out_v.at[b, pl.ds(0, sz)],
                out_hbm.at[pl.ds(base + offs[ci], sz)],
                osems[b],
            )
        out_h[0].wait()
        out_h[1].wait()

    return gather_kernel


_sc_kernel = _make_sc_kernel()


def kernel(atomic_numbers, e0s_tensor):
    return _sc_kernel(atomic_numbers.astype(jnp.int32), e0s_tensor)

# --- scband reference (transcript-rebuilt; emitter-appended) ---
"""Pipeline reference for scband-atom-energies-73564199846165 (READ-ONLY COPY).

The authoritative reference and input builder live on the scoring server;
editing this copy changes nothing except your own understanding.
"""

import jax, jax.numpy as jnp
import numpy as np

TABLE_SIZE = 123  # len(ase.data.atomic_numbers) + 4
ENERGY_STD = 1.0

def setup_inputs(seed: int = 0) -> dict:
    key = jax.random.key(seed)
    k1, k2 = jax.random.split(key)
    atomic_numbers = jax.random.randint(k1, (2097152,), 0, 120, dtype=jnp.int64 if jax.config.jax_enable_x64 else jnp.int32)
    # Materialize the per-element energy table (stand-in for PBE_bias filled rows),
    # already divided by energy_std as in __init__.
    e0s_tensor = (jax.random.normal(k2, (TABLE_SIZE,), dtype=jnp.float32) * 10.0) / ENERGY_STD
    return {"atomic_numbers": atomic_numbers, "e0s_tensor": e0s_tensor}

def reference(atomic_numbers, e0s_tensor):
    # energies = self.e0s_tensor[atomic_numbers]
    energies = jnp.take(e0s_tensor, atomic_numbers, axis=0)
    return energies

if __name__ == "__main__":
    import jax
    _d = setup_inputs()
    print(jax.jit(kernel)(*tuple(_d.values())))

</pallas_src>

<mosaic_0001>
#map = affine_map<(d0, d1) -> (0)>
module attributes {stable_mosaic.version = 14 : i64} {
  func.func @gather_kernel(%arg0: i32, %arg1: i32, %arg2: memref<2097152xi32, #tpu.memory_space<hbm>>, %arg3: memref<123xf32, #tpu.memory_space<hbm>>, %arg4: memref<2097152xf32, #tpu.memory_space<hbm>>, %arg5: memref<128xf32, #tpu.memory_space<vmem>>, %arg6: memref<2x16384xi32, #tpu.memory_space<vmem>>, %arg7: memref<2x16384xf32, #tpu.memory_space<vmem>>, %arg8: memref<!tpu.dma_semaphore, #tpu.memory_space<semaphore_mem>>, %arg9: memref<!tpu.dma_semaphore, #tpu.memory_space<semaphore_mem>>, %arg10: memref<!tpu.dma_semaphore, #tpu.memory_space<semaphore_mem>>, %arg11: memref<!tpu.dma_semaphore, #tpu.memory_space<semaphore_mem>>) attributes {dimension_semantics = [#tpu.dimension_semantics<core_parallel>, #tpu.dimension_semantics<subcore_parallel>], iteration_bounds = array<i64: 2, 16>, scalar_prefetch = 0 : i64, scratch_operands = 7 : i64, tpu.core_type = #tpu.core_type<sc_vector_subcore>, window_params = [{transform_indices = #map}, {transform_indices = #map}, {transform_indices = #map}]} {
    %mul3A = arith.constant 2 : i32
    %mul3A_0 = arith.muli %arg1, %mul3A : i32
    %add3A = arith.addi %mul3A_0, %arg0 : i32
    %mul3A_1 = arith.constant 65536 : i32
    %mul3A_2 = arith.muli %add3A, %mul3A_1 : i32
    %add3A_3 = arith.constant 0 : i32
    %add3A_4 = arith.addi %mul3A_2, %add3A_3 : i32
    %dma_start3A = arith.constant 0 : i32
    %dma_start3A_5 = arith.constant 0 : i32
    %dma_start3A_6 = tpu.memref_slice %arg6[%dma_start3A, %dma_start3A_5] : memref<2x16384xi32, #tpu.memory_space<vmem>> -> memref<1x8192xi32, #tpu.memory_space<vmem>>
    %dma_start3A_7 = tpu.memref_squeeze %dma_start3A_6 : memref<1x8192xi32, #tpu.memory_space<vmem>> -> memref<8192xi32, #tpu.memory_space<vmem>>
    %dma_start3A_8 = tpu.memref_slice %arg2[%add3A_4] : memref<2097152xi32, #tpu.memory_space<hbm>> -> memref<8192xi32, #tpu.memory_space<hbm>>
    %dma_start3A_9 = arith.constant 0 : i32
    %dma_start3A_10 = tpu.memref_slice %arg6[%dma_start3A, %dma_start3A_9] : memref<2x16384xi32, #tpu.memory_space<vmem>> -> memref<1x8192xi32, #tpu.memory_space<vmem>>
    %dma_start3A_11 = tpu.memref_squeeze %dma_start3A_10 : memref<1x8192xi32, #tpu.memory_space<vmem>> -> memref<8192xi32, #tpu.memory_space<vmem>>
    %dma_start3A_12 = tpu.memref_slice %arg2[%add3A_4] : memref<2097152xi32, #tpu.memory_space<hbm>> -> memref<8192xi32, #tpu.memory_space<hbm>>
    tpu.enqueue_dma source(%dma_start3A_12 : memref<8192xi32, #tpu.memory_space<hbm>>) target(%dma_start3A_11 : memref<8192xi32, #tpu.memory_space<vmem>>) target_semaphore(%arg8 : memref<!tpu.dma_semaphore, #tpu.memory_space<semaphore_mem>>)
    %add3A_13 = arith.constant 8192 : i32
    %add3A_14 = arith.addi %mul3A_2, %add3A_13 : i32
    %dma_start3A_15 = arith.constant 1 : i32
    %dma_start3A_16 = arith.constant 0 : i32
    %dma_start3A_17 = tpu.memref_slice %arg6[%dma_start3A_15, %dma_start3A_16] : memref<2x16384xi32, #tpu.memory_space<vmem>> -> memref<1x16384xi32, #tpu.memory_space<vmem>>
    %dma_start3A_18 = tpu.memref_squeeze %dma_start3A_17 : memref<1x16384xi32, #tpu.memory_space<vmem>> -> memref<16384xi32, #tpu.memory_space<vmem>>
    %dma_start3A_19 = tpu.memref_slice %arg2[%add3A_14] : memref<2097152xi32, #tpu.memory_space<hbm>> -> memref<16384xi32, #tpu.memory_space<hbm>>
    %dma_start3A_20 = arith.constant 0 : i32
    %dma_start3A_21 = tpu.memref_slice %arg6[%dma_start3A_15, %dma_start3A_20] : memref<2x16384xi32, #tpu.memory_space<vmem>> -> memref<1x16384xi32, #tpu.memory_space<vmem>>
    %dma_start3A_22 = tpu.memref_squeeze %dma_start3A_21 : memref<1x16384xi32, #tpu.memory_space<vmem>> -> memref<16384xi32, #tpu.memory_space<vmem>>
    %dma_start3A_23 = tpu.memref_slice %arg2[%add3A_14] : memref<2097152xi32, #tpu.memory_space<hbm>> -> memref<16384xi32, #tpu.memory_space<hbm>>
    tpu.enqueue_dma source(%dma_start3A_23 : memref<16384xi32, #tpu.memory_space<hbm>>) target(%dma_start3A_22 : memref<16384xi32, #tpu.memory_space<vmem>>) target_semaphore(%arg9 : memref<!tpu.dma_semaphore, #tpu.memory_space<semaphore_mem>>)
    "tpu.region"() ({
      %run_scoped3A = tpu.sem_alloc : memref<!tpu.dma_semaphore, #tpu.memory_space<semaphore_mem>>
      %dma_start3A_215 = arith.constant 0 : i32
      %dma_start3A_216 = tpu.memref_slice %arg5[%dma_start3A_215] : memref<128xf32, #tpu.memory_space<vmem>> -> memref<123xf32, #tpu.memory_space<vmem>>
      %dma_start3A_217 = arith.constant 0 : i32
      %dma_start3A_218 = tpu.memref_slice %arg5[%dma_start3A_217] : memref<128xf32, #tpu.memory_space<vmem>> -> memref<123xf32, #tpu.memory_space<vmem>>
      tpu.enqueue_dma source(%arg3 : memref<123xf32, #tpu.memory_space<hbm>>) target(%dma_start3A_218 : memref<123xf32, #tpu.memory_space<vmem>>) target_semaphore(%run_scoped3A : memref<!tpu.dma_semaphore, #tpu.memory_space<semaphore_mem>>)
      %dma_wait3A_219 = arith.constant 0 : i32
      %dma_wait3A_220 = tpu.memref_slice %arg5[%dma_wait3A_219] : memref<128xf32, #tpu.memory_space<vmem>> -> memref<123xf32, #tpu.memory_space<vmem>>
      %dma_wait3A_221 = arith.constant 0 : i32
      %dma_wait3A_222 = tpu.memref_slice %arg5[%dma_wait3A_221] : memref<128xf32, #tpu.memory_space<vmem>> -> memref<123xf32, #tpu.memory_space<vmem>>
      tpu.wait_dma2 semaphore(%run_scoped3A : memref<!tpu.dma_semaphore, #tpu.memory_space<semaphore_mem>>) src(%arg3 : memref<123xf32, #tpu.memory_space<hbm>>) dst(%dma_wait3A_222 : memref<123xf32, #tpu.memory_space<vmem>>)
      tpu.yield
    }) : () -> ()
    %dma_wait3A = arith.constant 0 : i32
    %dma_wait3A_24 = arith.constant 0 : i32
    %dma_wait3A_25 = tpu.memref_slice %arg6[%dma_wait3A, %dma_wait3A_24] : memref<2x16384xi32, #tpu.memory_space<vmem>> -> memref<1x8192xi32, #tpu.memory_space<vmem>>
    %dma_wait3A_26 = tpu.memref_squeeze %dma_wait3A_25 : memref<1x8192xi32, #tpu.memory_space<vmem>> -> memref<8192xi32, #tpu.memory_space<vmem>>
    %dma_wait3A_27 = tpu.memref_slice %arg2[%add3A_4] : memref<2097152xi32, #tpu.memory_space<hbm>> -> memref<8192xi32, #tpu.memory_space<hbm>>
    %dma_wait3A_28 = arith.constant 0 : i32
    %dma_wait3A_29 = tpu.memref_slice %arg6[%dma_wait3A, %dma_wait3A_28] : memref<2x16384xi32, #tpu.memory_space<vmem>> -> memref<1x8192xi32, #tpu.memory_space<vmem>>
    %dma_wait3A_30 = tpu.memref_squeeze %dma_wait3A_29 : memref<1x8192xi32, #tpu.memory_space<vmem>> -> memref<8192xi32, #tpu.memory_space<vmem>>
    %dma_wait3A_31 = tpu.memref_slice %arg2[%add3A_4] : memref<2097152xi32, #tpu.memory_space<hbm>> -> memref<8192xi32, #tpu.memory_space<hbm>>
    tpu.wait_dma2 semaphore(%arg8 : memref<!tpu.dma_semaphore, #tpu.memory_space<semaphore_mem>>) src(%dma_wait3A_31 : memref<8192xi32, #tpu.memory_space<hbm>>) dst(%dma_wait3A_30 : memref<8192xi32, #tpu.memory_space<vmem>>)
    %parallel_loop3A = arith.constant 0 : i32
    %parallel_loop3A_32 = arith.constant 512 : i32
    %parallel_loop3A_33 = arith.constant 1 : i32
    scf.for %parallel_loop3A_215 = %parallel_loop3A to %parallel_loop3A_32 step %parallel_loop3A_33  : i32 {
      %parallel_loop3A_216 = arith.constant 16 : i32
      %parallel_loop3A_217 = arith.muli %parallel_loop3A_215, %parallel_loop3A_216 : i32
      %parallel_loop3A_218 = arith.constant 0 : i32
      %parallel_loop3A_219 = arith.index_cast %parallel_loop3A_218 : i32 to index
      %parallel_loop3A_220 = arith.index_cast %parallel_loop3A_217 : i32 to index
      %parallel_loop3A_221 = tpu.vector_load %arg6[%parallel_loop3A_219, %parallel_loop3A_220] {strides = array<i32>} : memref<2x16384xi32, #tpu.memory_space<vmem>>, vector<16xi32>,
      %parallel_loop3A_222 = tpu.vector_load_idx %arg5[%parallel_loop3A_221] : memref<128xf32, #tpu.memory_space<vmem>>[vector<16xi32>], vector<16xf32>,
      %parallel_loop3A_223 = arith.constant 0 : i32
      %parallel_loop3A_224 = arith.index_cast %parallel_loop3A_223 : i32 to index
      %parallel_loop3A_225 = arith.index_cast %parallel_loop3A_217 : i32 to index
      %parallel_loop3A_226 = tpu.vector_load %arg7[%parallel_loop3A_224, %parallel_loop3A_225] {strides = array<i32>} : memref<2x16384xf32, #tpu.memory_space<vmem>>, vector<16xf32>,
      tpu.vector_store %arg7[%parallel_loop3A_224, %parallel_loop3A_225], %parallel_loop3A_222 {strides = array<i32>} : memref<2x16384xf32, #tpu.memory_space<vmem>>, vector<16xf32>,
    } {sc.loop_unroll_factor = 8 : i64, sc.parallel_access}
    %add3A_34 = arith.constant 24576 : i32
    %add3A_35 = arith.addi %mul3A_2, %add3A_34 : i32
    %dma_start3A_36 = arith.constant 0 : i32
    %dma_start3A_37 = arith.constant 0 : i32
    %dma_start3A_38 = tpu.memref_slice %arg6[%dma_start3A_36, %dma_start3A_37] : memref<2x16384xi32, #tpu.memory_space<vmem>> -> memref<1x16384xi32, #tpu.memory_space<vmem>>
    %dma_start3A_39 = tpu.memref_squeeze %dma_start3A_38 : memref<1x16384xi32, #tpu.memory_space<vmem>> -> memref<16384xi32, #tpu.memory_space<vmem>>
    %dma_start3A_40 = tpu.memref_slice %arg2[%add3A_35] : memref<2097152xi32, #tpu.memory_space<hbm>> -> memref<16384xi32, #tpu.memory_space<hbm>>
    %dma_start3A_41 = arith.constant 0 : i32
    %dma_start3A_42 = tpu.memref_slice %arg6[%dma_start3A_36, %dma_start3A_41] : memref<2x16384xi32, #tpu.memory_space<vmem>> -> memref<1x16384xi32, #tpu.memory_space<vmem>>
    %dma_start3A_43 = tpu.memref_squeeze %dma_start3A_42 : memref<1x16384xi32, #tpu.memory_space<vmem>> -> memref<16384xi32, #tpu.memory_space<vmem>>
    %dma_start3A_44 = tpu.memref_slice %arg2[%add3A_35] : memref<2097152xi32, #tpu.memory_space<hbm>> -> memref<16384xi32, #tpu.memory_space<hbm>>
    tpu.enqueue_dma source(%dma_start3A_44 : memref<16384xi32, #tpu.memory_space<hbm>>) target(%dma_start3A_43 : memref<16384xi32, #tpu.memory_space<vmem>>) target_semaphore(%arg8 : memref<!tpu.dma_semaphore, #tpu.memory_space<semaphore_mem>>)
    %add3A_45 = arith.constant 0 : i32
    %add3A_46 = arith.addi %mul3A_2, %add3A_45 : i32
    %dma_start3A_47 = arith.constant 0 : i32
    %dma_start3A_48 = arith.constant 0 : i32
    %dma_start3A_49 = tpu.memref_slice %arg7[%dma_start3A_47, %dma_start3A_48] : memref<2x16384xf32, #tpu.memory_space<vmem>> -> memref<1x8192xf32, #tpu.memory_space<vmem>>
    %dma_start3A_50 = tpu.memref_squeeze %dma_start3A_49 : memref<1x8192xf32, #tpu.memory_space<vmem>> -> memref<8192xf32, #tpu.memory_space<vmem>>
    %dma_start3A_51 = tpu.memref_slice %arg4[%add3A_46] : memref<2097152xf32, #tpu.memory_space<hbm>> -> memref<8192xf32, #tpu.memory_space<hbm>>
    %dma_start3A_52 = tpu.memref_slice %arg4[%add3A_46] : memref<2097152xf32, #tpu.memory_space<hbm>> -> memref<8192xf32, #tpu.memory_space<hbm>>
    %dma_start3A_53 = arith.constant 0 : i32
    %dma_start3A_54 = tpu.memref_slice %arg7[%dma_start3A_47, %dma_start3A_53] : memref<2x16384xf32, #tpu.memory_space<vmem>> -> memref<1x8192xf32, #tpu.memory_space<vmem>>
    %dma_start3A_55 = tpu.memref_squeeze %dma_start3A_54 : memref<1x8192xf32, #tpu.memory_space<vmem>> -> memref<8192xf32, #tpu.memory_space<vmem>>
    tpu.enqueue_dma source(%dma_start3A_55 : memref<8192xf32, #tpu.memory_space<vmem>>) target(%dma_start3A_52 : memref<8192xf32, #tpu.memory_space<hbm>>) target_semaphore(%arg10 : memref<!tpu.dma_semaphore, #tpu.memory_space<semaphore_mem>>)
    %dma_wait3A_56 = arith.constant 1 : i32
    %dma_wait3A_57 = arith.constant 0 : i32
    %dma_wait3A_58 = tpu.memref_slice %arg6[%dma_wait3A_56, %dma_wait3A_57] : memref<2x16384xi32, #tpu.memory_space<vmem>> -> memref<1x16384xi32, #tpu.memory_space<vmem>>
    %dma_wait3A_59 = tpu.memref_squeeze %dma_wait3A_58 : memref<1x16384xi32, #tpu.memory_space<vmem>> -> memref<16384xi32, #tpu.memory_space<vmem>>
    %dma_wait3A_60 = tpu.memref_slice %arg2[%add3A_14] : memref<2097152xi32, #tpu.memory_space<hbm>> -> memref<16384xi32, #tpu.memory_space<hbm>>
    %dma_wait3A_61 = arith.constant 0 : i32
    %dma_wait3A_62 = tpu.memref_slice %arg6[%dma_wait3A_56, %dma_wait3A_61] : memref<2x16384xi32, #tpu.memory_space<vmem>> -> memref<1x16384xi32, #tpu.memory_space<vmem>>
    %dma_wait3A_63 = tpu.memref_squeeze %dma_wait3A_62 : memref<1x16384xi32, #tpu.memory_space<vmem>> -> memref<16384xi32, #tpu.memory_space<vmem>>
    %dma_wait3A_64 = tpu.memref_slice %arg2[%add3A_14] : memref<2097152xi32, #tpu.memory_space<hbm>> -> memref<16384xi32, #tpu.memory_space<hbm>>
    tpu.wait_dma2 semaphore(%arg9 : memref<!tpu.dma_semaphore, #tpu.memory_space<semaphore_mem>>) src(%dma_wait3A_64 : memref<16384xi32, #tpu.memory_space<hbm>>) dst(%dma_wait3A_63 : memref<16384xi32, #tpu.memory_space<vmem>>)
    %parallel_loop3A_65 = arith.constant 0 : i32
    %parallel_loop3A_66 = arith.constant 1024 : i32
    %parallel_loop3A_67 = arith.constant 1 : i32
    scf.for %parallel_loop3A_215 = %parallel_loop3A_65 to %parallel_loop3A_66 step %parallel_loop3A_67  : i32 {
      %parallel_loop3A_216 = arith.constant 16 : i32
      %parallel_loop3A_217 = arith.muli %parallel_loop3A_215, %parallel_loop3A_216 : i32
      %parallel_loop3A_218 = arith.constant 1 : i32
      %parallel_loop3A_219 = arith.index_cast %parallel_loop3A_218 : i32 to index
      %parallel_loop3A_220 = arith.index_cast %parallel_loop3A_217 : i32 to index
      %parallel_loop3A_221 = tpu.vector_load %arg6[%parallel_loop3A_219, %parallel_loop3A_220] {strides = array<i32>} : memref<2x16384xi32, #tpu.memory_space<vmem>>, vector<16xi32>,
      %parallel_loop3A_222 = tpu.vector_load_idx %arg5[%parallel_loop3A_221] : memref<128xf32, #tpu.memory_space<vmem>>[vector<16xi32>], vector<16xf32>,
      %parallel_loop3A_223 = arith.constant 1 : i32
      %parallel_loop3A_224 = arith.index_cast %parallel_loop3A_223 : i32 to index
      %parallel_loop3A_225 = arith.index_cast %parallel_loop3A_217 : i32 to index
      %parallel_loop3A_226 = tpu.vector_load %arg7[%parallel_loop3A_224, %parallel_loop3A_225] {strides = array<i32>} : memref<2x16384xf32, #tpu.memory_space<vmem>>, vector<16xf32>,
      tpu.vector_store %arg7[%parallel_loop3A_224, %parallel_loop3A_225], %parallel_loop3A_222 {strides = array<i32>} : memref<2x16384xf32, #tpu.memory_space<vmem>>, vector<16xf32>,
    } {sc.loop_unroll_factor = 8 : i64, sc.parallel_access}
    %add3A_68 = arith.constant 40960 : i32
    %add3A_69 = arith.addi %mul3A_2, %add3A_68 : i32
    %dma_start3A_70 = arith.constant 1 : i32
    %dma_start3A_71 = arith.constant 0 : i32
    %dma_start3A_72 = tpu.memref_slice %arg6[%dma_start3A_70, %dma_start3A_71] : memref<2x16384xi32, #tpu.memory_space<vmem>> -> memref<1x16384xi32, #tpu.memory_space<vmem>>
    %dma_start3A_73 = tpu.memref_squeeze %dma_start3A_72 : memref<1x16384xi32, #tpu.memory_space<vmem>> -> memref<16384xi32, #tpu.memory_space<vmem>>
    %dma_start3A_74 = tpu.memref_slice %arg2[%add3A_69] : memref<2097152xi32, #tpu.memory_space<hbm>> -> memref<16384xi32, #tpu.memory_space<hbm>>
    %dma_start3A_75 = arith.constant 0 : i32
    %dma_start3A_76 = tpu.memref_slice %arg6[%dma_start3A_70, %dma_start3A_75] : memref<2x16384xi32, #tpu.memory_space<vmem>> -> memref<1x16384xi32, #tpu.memory_space<vmem>>
    %dma_start3A_77 = tpu.memref_squeeze %dma_start3A_76 : memref<1x16384xi32, #tpu.memory_space<vmem>> -> memref<16384xi32, #tpu.memory_space<vmem>>
    %dma_start3A_78 = tpu.memref_slice %arg2[%add3A_69] : memref<2097152xi32, #tpu.memory_space<hbm>> -> memref<16384xi32, #tpu.memory_space<hbm>>
    tpu.enqueue_dma source(%dma_start3A_78 : memref<16384xi32, #tpu.memory_space<hbm>>) target(%dma_start3A_77 : memref<16384xi32, #tpu.memory_space<vmem>>) target_semaphore(%arg9 : memref<!tpu.dma_semaphore, #tpu.memory_space<semaphore_mem>>)
    %add3A_79 = arith.constant 8192 : i32
    %add3A_80 = arith.addi %mul3A_2, %add3A_79 : i32
    %dma_start3A_81 = arith.constant 1 : i32
    %dma_start3A_82 = arith.constant 0 : i32
    %dma_start3A_83 = tpu.memref_slice %arg7[%dma_start3A_81, %dma_start3A_82] : memref<2x16384xf32, #tpu.memory_space<vmem>> -> memref<1x16384xf32, #tpu.memory_space<vmem>>
    %dma_start3A_84 = tpu.memref_squeeze %dma_start3A_83 : memref<1x16384xf32, #tpu.memory_space<vmem>> -> memref<16384xf32, #tpu.memory_space<vmem>>
    %dma_start3A_85 = tpu.memref_slice %arg4[%add3A_80] : memref<2097152xf32, #tpu.memory_space<hbm>> -> memref<16384xf32, #tpu.memory_space<hbm>>
    %dma_start3A_86 = tpu.memref_slice %arg4[%add3A_80] : memref<2097152xf32, #tpu.memory_space<hbm>> -> memref<16384xf32, #tpu.memory_space<hbm>>
    %dma_start3A_87 = arith.constant 0 : i32
    %dma_start3A_88 = tpu.memref_slice %arg7[%dma_start3A_81, %dma_start3A_87] : memref<2x16384xf32, #tpu.memory_space<vmem>> -> memref<1x16384xf32, #tpu.memory_space<vmem>>
    %dma_start3A_89 = tpu.memref_squeeze %dma_start3A_88 : memref<1x16384xf32, #tpu.memory_space<vmem>> -> memref<16384xf32, #tpu.memory_space<vmem>>
    tpu.enqueue_dma source(%dma_start3A_89 : memref<16384xf32, #tpu.memory_space<vmem>>) target(%dma_start3A_86 : memref<16384xf32, #tpu.memory_space<hbm>>) target_semaphore(%arg11 : memref<!tpu.dma_semaphore, #tpu.memory_space<semaphore_mem>>)
    %dma_wait3A_90 = arith.constant 0 : i32
    %dma_wait3A_91 = arith.constant 0 : i32
    %dma_wait3A_92 = tpu.memref_slice %arg6[%dma_wait3A_90, %dma_wait3A_91] : memref<2x16384xi32, #tpu.memory_space<vmem>> -> memref<1x16384xi32, #tpu.memory_space<vmem>>
    %dma_wait3A_93 = tpu.memref_squeeze %dma_wait3A_92 : memref<1x16384xi32, #tpu.memory_space<vmem>> -> memref<16384xi32, #tpu.memory_space<vmem>>
    %dma_wait3A_94 = tpu.memref_slice %arg2[%add3A_35] : memref<2097152xi32, #tpu.memory_space<hbm>> -> memref<16384xi32, #tpu.memory_space<hbm>>
    %dma_wait3A_95 = arith.constant 0 : i32
    %dma_wait3A_96 = tpu.memref_slice %arg6[%dma_wait3A_90, %dma_wait3A_95] : memref<2x16384xi32, #tpu.memory_space<vmem>> -> memref<1x16384xi32, #tpu.memory_space<vmem>>
    %dma_wait3A_97 = tpu.memref_squeeze %dma_wait3A_96 : memref<1x16384xi32, #tpu.memory_space<vmem>> -> memref<16384xi32, #tpu.memory_space<vmem>>
    %dma_wait3A_98 = tpu.memref_slice %arg2[%add3A_35] : memref<2097152xi32, #tpu.memory_space<hbm>> -> memref<16384xi32, #tpu.memory_space<hbm>>
    tpu.wait_dma2 semaphore(%arg8 : memref<!tpu.dma_semaphore, #tpu.memory_space<semaphore_mem>>) src(%dma_wait3A_98 : memref<16384xi32, #tpu.memory_space<hbm>>) dst(%dma_wait3A_97 : memref<16384xi32, #tpu.memory_space<vmem>>)
    %dma_wait3A_99 = arith.constant 0 : i32
    %dma_wait3A_100 = arith.constant 0 : i32
    %dma_wait3A_101 = tpu.memref_slice %arg7[%dma_wait3A_99, %dma_wait3A_100] : memref<2x16384xf32, #tpu.memory_space<vmem>> -> memref<1x8192xf32, #tpu.memory_space<vmem>>
    %dma_wait3A_102 = tpu.memref_squeeze %dma_wait3A_101 : memref<1x8192xf32, #tpu.memory_space<vmem>> -> memref<8192xf32, #tpu.memory_space<vmem>>
    %dma_wait3A_103 = tpu.memref_slice %arg4[%add3A_46] : memref<2097152xf32, #tpu.memory_space<hbm>> -> memref<8192xf32, #tpu.memory_space<hbm>>
    %dma_wait3A_104 = tpu.memref_slice %arg4[%add3A_46] : memref<2097152xf32, #tpu.memory_space<hbm>> -> memref<8192xf32, #tpu.memory_space<hbm>>
    %dma_wait3A_105 = arith.constant 0 : i32
    %dma_wait3A_106 = tpu.memref_slice %arg7[%dma_wait3A_99, %dma_wait3A_105] : memref<2x16384xf32, #tpu.memory_space<vmem>> -> memref<1x8192xf32, #tpu.memory_space<vmem>>
    %dma_wait3A_107 = tpu.memref_squeeze %dma_wait3A_106 : memref<1x8192xf32, #tpu.memory_space<vmem>> -> memref<8192xf32, #tpu.memory_space<vmem>>
    tpu.wait_dma2 semaphore(%arg10 : memref<!tpu.dma_semaphore, #tpu.memory_space<semaphore_mem>>) src(%dma_wait3A_107 : memref<8192xf32, #tpu.memory_space<vmem>>) dst(%dma_wait3A_104 : memref<8192xf32, #tpu.memory_space<hbm>>)
    %parallel_loop3A_108 = arith.constant 0 : i32
    %parallel_loop3A_109 = arith.constant 1024 : i32
    %parallel_loop3A_110 = arith.constant 1 : i32
    scf.for %parallel_loop3A_215 = %parallel_loop3A_108 to %parallel_loop3A_109 step %parallel_loop3A_110  : i32 {
      %parallel_loop3A_216 = arith.constant 16 : i32
      %parallel_loop3A_217 = arith.muli %parallel_loop3A_215, %parallel_loop3A_216 : i32
      %parallel_loop3A_218 = arith.constant 0 : i32
      %parallel_loop3A_219 = arith.index_cast %parallel_loop3A_218 : i32 to index
      %parallel_loop3A_220 = arith.index_cast %parallel_loop3A_217 : i32 to index
      %parallel_loop3A_221 = tpu.vector_load %arg6[%parallel_loop3A_219, %parallel_loop3A_220] {strides = array<i32>} : memref<2x16384xi32, #tpu.memory_space<vmem>>, vector<16xi32>,
      %parallel_loop3A_222 = tpu.vector_load_idx %arg5[%parallel_loop3A_221] : memref<128xf32, #tpu.memory_space<vmem>>[vector<16xi32>], vector<16xf32>,
      %parallel_loop3A_223 = arith.constant 0 : i32
      %parallel_loop3A_224 = arith.index_cast %parallel_loop3A_223 : i32 to index
      %parallel_loop3A_225 = arith.index_cast %parallel_loop3A_217 : i32 to index
      %parallel_loop3A_226 = tpu.vector_load %arg7[%parallel_loop3A_224, %parallel_loop3A_225] {strides = array<i32>} : memref<2x16384xf32, #tpu.memory_space<vmem>>, vector<16xf32>,
      tpu.vector_store %arg7[%parallel_loop3A_224, %parallel_loop3A_225], %parallel_loop3A_222 {strides = array<i32>} : memref<2x16384xf32, #tpu.memory_space<vmem>>, vector<16xf32>,
    } {sc.loop_unroll_factor = 8 : i64, sc.parallel_access}
    %add3A_111 = arith.constant 57344 : i32
    %add3A_112 = arith.addi %mul3A_2, %add3A_111 : i32
    %dma_start3A_113 = arith.constant 0 : i32
    %dma_start3A_114 = arith.constant 0 : i32
    %dma_start3A_115 = tpu.memref_slice %arg6[%dma_start3A_113, %dma_start3A_114] : memref<2x16384xi32, #tpu.memory_space<vmem>> -> memref<1x8192xi32, #tpu.memory_space<vmem>>
    %dma_start3A_116 = tpu.memref_squeeze %dma_start3A_115 : memref<1x8192xi32, #tpu.memory_space<vmem>> -> memref<8192xi32, #tpu.memory_space<vmem>>
    %dma_start3A_117 = tpu.memref_slice %arg2[%add3A_112] : memref<2097152xi32, #tpu.memory_space<hbm>> -> memref<8192xi32, #tpu.memory_space<hbm>>
    %dma_start3A_118 = arith.constant 0 : i32
    %dma_start3A_119 = tpu.memref_slice %arg6[%dma_start3A_113, %dma_start3A_118] : memref<2x16384xi32, #tpu.memory_space<vmem>> -> memref<1x8192xi32, #tpu.memory_space<vmem>>
    %dma_start3A_120 = tpu.memref_squeeze %dma_start3A_119 : memref<1x8192xi32, #tpu.memory_space<vmem>> -> memref<8192xi32, #tpu.memory_space<vmem>>
    %dma_start3A_121 = tpu.memref_slice %arg2[%add3A_112] : memref<2097152xi32, #tpu.memory_space<hbm>> -> memref<8192xi32, #tpu.memory_space<hbm>>
    tpu.enqueue_dma source(%dma_start3A_121 : memref<8192xi32, #tpu.memory_space<hbm>>) target(%dma_start3A_120 : memref<8192xi32, #tpu.memory_space<vmem>>) target_semaphore(%arg8 : memref<!tpu.dma_semaphore, #tpu.memory_space<semaphore_mem>>)
    %add3A_122 = arith.constant 24576 : i32
    %add3A_123 = arith.addi %mul3A_2, %add3A_122 : i32
    %dma_start3A_124 = arith.constant 0 : i32
    %dma_start3A_125 = arith.constant 0 : i32
    %dma_start3A_126 = tpu.memref_slice %arg7[%dma_start3A_124, %dma_start3A_125] : memref<2x16384xf32, #tpu.memory_space<vmem>> -> memref<1x16384xf32, #tpu.memory_space<vmem>>
    %dma_start3A_127 = tpu.memref_squeeze %dma_start3A_126 : memref<1x16384xf32, #tpu.memory_space<vmem>> -> memref<16384xf32, #tpu.memory_space<vmem>>
    %dma_start3A_128 = tpu.memref_slice %arg4[%add3A_123] : memref<2097152xf32, #tpu.memory_space<hbm>> -> memref<16384xf32, #tpu.memory_space<hbm>>
    %dma_start3A_129 = tpu.memref_slice %arg4[%add3A_123] : memref<2097152xf32, #tpu.memory_space<hbm>> -> memref<16384xf32, #tpu.memory_space<hbm>>
    %dma_start3A_130 = arith.constant 0 : i32
    %dma_start3A_131 = tpu.memref_slice %arg7[%dma_start3A_124, %dma_start3A_130] : memref<2x16384xf32, #tpu.memory_space<vmem>> -> memref<1x16384xf32, #tpu.memory_space<vmem>>
    %dma_start3A_132 = tpu.memref_squeeze %dma_start3A_131 : memref<1x16384xf32, #tpu.memory_space<vmem>> -> memref<16384xf32, #tpu.memory_space<vmem>>
    tpu.enqueue_dma source(%dma_start3A_132 : memref<16384xf32, #tpu.memory_space<vmem>>) target(%dma_start3A_129 : memref<16384xf32, #tpu.memory_space<hbm>>) target_semaphore(%arg10 : memref<!tpu.dma_semaphore, #tpu.memory_space<semaphore_mem>>)
    %dma_wait3A_133 = arith.constant 1 : i32
    %dma_wait3A_134 = arith.constant 0 : i32
    %dma_wait3A_135 = tpu.memref_slice %arg6[%dma_wait3A_133, %dma_wait3A_134] : memref<2x16384xi32, #tpu.memory_space<vmem>> -> memref<1x16384xi32, #tpu.memory_space<vmem>>
    %dma_wait3A_136 = tpu.memref_squeeze %dma_wait3A_135 : memref<1x16384xi32, #tpu.memory_space<vmem>> -> memref<16384xi32, #tpu.memory_space<vmem>>
    %dma_wait3A_137 = tpu.memref_slice %arg2[%add3A_69] : memref<2097152xi32, #tpu.memory_space<hbm>> -> memref<16384xi32, #tpu.memory_space<hbm>>
    %dma_wait3A_138 = arith.constant 0 : i32
    %dma_wait3A_139 = tpu.memref_slice %arg6[%dma_wait3A_133, %dma_wait3A_138] : memref<2x16384xi32, #tpu.memory_space<vmem>> -> memref<1x16384xi32, #tpu.memory_space<vmem>>
    %dma_wait3A_140 = tpu.memref_squeeze %dma_wait3A_139 : memref<1x16384xi32, #tpu.memory_space<vmem>> -> memref<16384xi32, #tpu.memory_space<vmem>>
    %dma_wait3A_141 = tpu.memref_slice %arg2[%add3A_69] : memref<2097152xi32, #tpu.memory_space<hbm>> -> memref<16384xi32, #tpu.memory_space<hbm>>
    tpu.wait_dma2 semaphore(%arg9 : memref<!tpu.dma_semaphore, #tpu.memory_space<semaphore_mem>>) src(%dma_wait3A_141 : memref<16384xi32, #tpu.memory_space<hbm>>) dst(%dma_wait3A_140 : memref<16384xi32, #tpu.memory_space<vmem>>)
    %dma_wait3A_142 = arith.constant 1 : i32
    %dma_wait3A_143 = arith.constant 0 : i32
    %dma_wait3A_144 = tpu.memref_slice %arg7[%dma_wait3A_142, %dma_wait3A_143] : memref<2x16384xf32, #tpu.memory_space<vmem>> -> memref<1x16384xf32, #tpu.memory_space<vmem>>
    %dma_wait3A_145 = tpu.memref_squeeze %dma_wait3A_144 : memref<1x16384xf32, #tpu.memory_space<vmem>> -> memref<16384xf32, #tpu.memory_space<vmem>>
    %dma_wait3A_146 = tpu.memref_slice %arg4[%add3A_80] : memref<2097152xf32, #tpu.memory_space<hbm>> -> memref<16384xf32, #tpu.memory_space<hbm>>
    %dma_wait3A_147 = tpu.memref_slice %arg4[%add3A_80] : memref<2097152xf32, #tpu.memory_space<hbm>> -> memref<16384xf32, #tpu.memory_space<hbm>>
    %dma_wait3A_148 = arith.constant 0 : i32
    %dma_wait3A_149 = tpu.memref_slice %arg7[%dma_wait3A_142, %dma_wait3A_148] : memref<2x16384xf32, #tpu.memory_space<vmem>> -> memref<1x16384xf32, #tpu.memory_space<vmem>>
    %dma_wait3A_150 = tpu.memref_squeeze %dma_wait3A_149 : memref<1x16384xf32, #tpu.memory_space<vmem>> -> memref<16384xf32, #tpu.memory_space<vmem>>
    tpu.wait_dma2 semaphore(%arg11 : memref<!tpu.dma_semaphore, #tpu.memory_space<semaphore_mem>>) src(%dma_wait3A_150 : memref<16384xf32, #tpu.memory_space<vmem>>) dst(%dma_wait3A_147 : memref<16384xf32, #tpu.memory_space<hbm>>)
    %parallel_loop3A_151 = arith.constant 0 : i32
    %parallel_loop3A_152 = arith.constant 1024 : i32
    %parallel_loop3A_153 = arith.constant 1 : i32
    scf.for %parallel_loop3A_215 = %parallel_loop3A_151 to %parallel_loop3A_152 step %parallel_loop3A_153  : i32 {
      %parallel_loop3A_216 = arith.constant 16 : i32
      %parallel_loop3A_217 = arith.muli %parallel_loop3A_215, %parallel_loop3A_216 : i32
      %parallel_loop3A_218 = arith.constant 1 : i32
      %parallel_loop3A_219 = arith.index_cast %parallel_loop3A_218 : i32 to index
      %parallel_loop3A_220 = arith.index_cast %parallel_loop3A_217 : i32 to index
      %parallel_loop3A_221 = tpu.vector_load %arg6[%parallel_loop3A_219, %parallel_loop3A_220] {strides = array<i32>} : memref<2x16384xi32, #tpu.memory_space<vmem>>, vector<16xi32>,
      %parallel_loop3A_222 = tpu.vector_load_idx %arg5[%parallel_loop3A_221] : memref<128xf32, #tpu.memory_space<vmem>>[vector<16xi32>], vector<16xf32>,
      %parallel_loop3A_223 = arith.constant 1 : i32
      %parallel_loop3A_224 = arith.index_cast %parallel_loop3A_223 : i32 to index
      %parallel_loop3A_225 = arith.index_cast %parallel_loop3A_217 : i32 to index
      %parallel_loop3A_226 = tpu.vector_load %arg7[%parallel_loop3A_224, %parallel_loop3A_225] {strides = array<i32>} : memref<2x16384xf32, #tpu.memory_space<vmem>>, vector<16xf32>,
      tpu.vector_store %arg7[%parallel_loop3A_224, %parallel_loop3A_225], %parallel_loop3A_222 {strides = array<i32>} : memref<2x16384xf32, #tpu.memory_space<vmem>>, vector<16xf32>,
    } {sc.loop_unroll_factor = 8 : i64, sc.parallel_access}
    %add3A_154 = arith.constant 40960 : i32
    %add3A_155 = arith.addi %mul3A_2, %add3A_154 : i32
    %dma_start3A_156 = arith.constant 1 : i32
    %dma_start3A_157 = arith.constant 0 : i32
    %dma_start3A_158 = tpu.memref_slice %arg7[%dma_start3A_156, %dma_start3A_157] : memref<2x16384xf32, #tpu.memory_space<vmem>> -> memref<1x16384xf32, #tpu.memory_space<vmem>>
    %dma_start3A_159 = tpu.memref_squeeze %dma_start3A_158 : memref<1x16384xf32, #tpu.memory_space<vmem>> -> memref<16384xf32, #tpu.memory_space<vmem>>
    %dma_start3A_160 = tpu.memref_slice %arg4[%add3A_155] : memref<2097152xf32, #tpu.memory_space<hbm>> -> memref<16384xf32, #tpu.memory_space<hbm>>
    %dma_start3A_161 = tpu.memref_slice %arg4[%add3A_155] : memref<2097152xf32, #tpu.memory_space<hbm>> -> memref<16384xf32, #tpu.memory_space<hbm>>
    %dma_start3A_162 = arith.constant 0 : i32
    %dma_start3A_163 = tpu.memref_slice %arg7[%dma_start3A_156, %dma_start3A_162] : memref<2x16384xf32, #tpu.memory_space<vmem>> -> memref<1x16384xf32, #tpu.memory_space<vmem>>
    %dma_start3A_164 = tpu.memref_squeeze %dma_start3A_163 : memref<1x16384xf32, #tpu.memory_space<vmem>> -> memref<16384xf32, #tpu.memory_space<vmem>>
    tpu.enqueue_dma source(%dma_start3A_164 : memref<16384xf32, #tpu.memory_space<vmem>>) target(%dma_start3A_161 : memref<16384xf32, #tpu.memory_space<hbm>>) target_semaphore(%arg11 : memref<!tpu.dma_semaphore, #tpu.memory_space<semaphore_mem>>)
    %dma_wait3A_165 = arith.constant 0 : i32
    %dma_wait3A_166 = arith.constant 0 : i32
    %dma_wait3A_167 = tpu.memref_slice %arg6[%dma_wait3A_165, %dma_wait3A_166] : memref<2x16384xi32, #tpu.memory_space<vmem>> -> memref<1x8192xi32, #tpu.memory_space<vmem>>
    %dma_wait3A_168 = tpu.memref_squeeze %dma_wait3A_167 : memref<1x8192xi32, #tpu.memory_space<vmem>> -> memref<8192xi32, #tpu.memory_space<vmem>>
    %dma_wait3A_169 = tpu.memref_slice %arg2[%add3A_112] : memref<2097152xi32, #tpu.memory_space<hbm>> -> memref<8192xi32, #tpu.memory_space<hbm>>
    %dma_wait3A_170 = arith.constant 0 : i32
    %dma_wait3A_171 = tpu.memref_slice %arg6[%dma_wait3A_165, %dma_wait3A_170] : memref<2x16384xi32, #tpu.memory_space<vmem>> -> memref<1x8192xi32, #tpu.memory_space<vmem>>
    %dma_wait3A_172 = tpu.memref_squeeze %dma_wait3A_171 : memref<1x8192xi32, #tpu.memory_space<vmem>> -> memref<8192xi32, #tpu.memory_space<vmem>>
    %dma_wait3A_173 = tpu.memref_slice %arg2[%add3A_112] : memref<2097152xi32, #tpu.memory_space<hbm>> -> memref<8192xi32, #tpu.memory_space<hbm>>
    tpu.wait_dma2 semaphore(%arg8 : memref<!tpu.dma_semaphore, #tpu.memory_space<semaphore_mem>>) src(%dma_wait3A_173 : memref<8192xi32, #tpu.memory_space<hbm>>) dst(%dma_wait3A_172 : memref<8192xi32, #tpu.memory_space<vmem>>)
    %dma_wait3A_174 = arith.constant 0 : i32
    %dma_wait3A_175 = arith.constant 0 : i32
    %dma_wait3A_176 = tpu.memref_slice %arg7[%dma_wait3A_174, %dma_wait3A_175] : memref<2x16384xf32, #tpu.memory_space<vmem>> -> memref<1x16384xf32, #tpu.memory_space<vmem>>
    %dma_wait3A_177 = tpu.memref_squeeze %dma_wait3A_176 : memref<1x16384xf32, #tpu.memory_space<vmem>> -> memref<16384xf32, #tpu.memory_space<vmem>>
    %dma_wait3A_178 = tpu.memref_slice %arg4[%add3A_123] : memref<2097152xf32, #tpu.memory_space<hbm>> -> memref<16384xf32, #tpu.memory_space<hbm>>
    %dma_wait3A_179 = tpu.memref_slice %arg4[%add3A_123] : memref<2097152xf32, #tpu.memory_space<hbm>> -> memref<16384xf32, #tpu.memory_space<hbm>>
    %dma_wait3A_180 = arith.constant 0 : i32
    %dma_wait3A_181 = tpu.memref_slice %arg7[%dma_wait3A_174, %dma_wait3A_180] : memref<2x16384xf32, #tpu.memory_space<vmem>> -> memref<1x16384xf32, #tpu.memory_space<vmem>>
    %dma_wait3A_182 = tpu.memref_squeeze %dma_wait3A_181 : memref<1x16384xf32, #tpu.memory_space<vmem>> -> memref<16384xf32, #tpu.memory_space<vmem>>
    tpu.wait_dma2 semaphore(%arg10 : memref<!tpu.dma_semaphore, #tpu.memory_space<semaphore_mem>>) src(%dma_wait3A_182 : memref<16384xf32, #tpu.memory_space<vmem>>) dst(%dma_wait3A_179 : memref<16384xf32, #tpu.memory_space<hbm>>)
    %parallel_loop3A_183 = arith.constant 0 : i32
    %parallel_loop3A_184 = arith.constant 512 : i32
    %parallel_loop3A_185 = arith.constant 1 : i32
    scf.for %parallel_loop3A_215 = %parallel_loop3A_183 to %parallel_loop3A_184 step %parallel_loop3A_185  : i32 {
      %parallel_loop3A_216 = arith.constant 16 : i32
      %parallel_loop3A_217 = arith.muli %parallel_loop3A_215, %parallel_loop3A_216 : i32
      %parallel_loop3A_218 = arith.constant 0 : i32
      %parallel_loop3A_219 = arith.index_cast %parallel_loop3A_218 : i32 to index
      %parallel_loop3A_220 = arith.index_cast %parallel_loop3A_217 : i32 to index
      %parallel_loop3A_221 = tpu.vector_load %arg6[%parallel_loop3A_219, %parallel_loop3A_220] {strides = array<i32>} : memref<2x16384xi32, #tpu.memory_space<vmem>>, vector<16xi32>,
      %parallel_loop3A_222 = tpu.vector_load_idx %arg5[%parallel_loop3A_221] : memref<128xf32, #tpu.memory_space<vmem>>[vector<16xi32>], vector<16xf32>,
      %parallel_loop3A_223 = arith.constant 0 : i32
      %parallel_loop3A_224 = arith.index_cast %parallel_loop3A_223 : i32 to index
      %parallel_loop3A_225 = arith.index_cast %parallel_loop3A_217 : i32 to index
      %parallel_loop3A_226 = tpu.vector_load %arg7[%parallel_loop3A_224, %parallel_loop3A_225] {strides = array<i32>} : memref<2x16384xf32, #tpu.memory_space<vmem>>, vector<16xf32>,
      tpu.vector_store %arg7[%parallel_loop3A_224, %parallel_loop3A_225], %parallel_loop3A_222 {strides = array<i32>} : memref<2x16384xf32, #tpu.memory_space<vmem>>, vector<16xf32>,
    } {sc.loop_unroll_factor = 8 : i64, sc.parallel_access}
    %add3A_186 = arith.constant 57344 : i32
    %add3A_187 = arith.addi %mul3A_2, %add3A_186 : i32
    %dma_start3A_188 = arith.constant 0 : i32
    %dma_start3A_189 = arith.constant 0 : i32
    %dma_start3A_190 = tpu.memref_slice %arg7[%dma_start3A_188, %dma_start3A_189] : memref<2x16384xf32, #tpu.memory_space<vmem>> -> memref<1x8192xf32, #tpu.memory_space<vmem>>
    %dma_start3A_191 = tpu.memref_squeeze %dma_start3A_190 : memref<1x8192xf32, #tpu.memory_space<vmem>> -> memref<8192xf32, #tpu.memory_space<vmem>>
    %dma_start3A_192 = tpu.memref_slice %arg4[%add3A_187] : memref<2097152xf32, #tpu.memory_space<hbm>> -> memref<8192xf32, #tpu.memory_space<hbm>>
    %dma_start3A_193 = tpu.memref_slice %arg4[%add3A_187] : memref<2097152xf32, #tpu.memory_space<hbm>> -> memref<8192xf32, #tpu.memory_space<hbm>>
    %dma_start3A_194 = arith.constant 0 : i32
    %dma_start3A_195 = tpu.memref_slice %arg7[%dma_start3A_188, %dma_start3A_194] : memref<2x16384xf32, #tpu.memory_space<vmem>> -> memref<1x8192xf32, #tpu.memory_space<vmem>>
    %dma_start3A_196 = tpu.memref_squeeze %dma_start3A_195 : memref<1x8192xf32, #tpu.memory_space<vmem>> -> memref<8192xf32, #tpu.memory_space<vmem>>
    tpu.enqueue_dma source(%dma_start3A_196 : memref<8192xf32, #tpu.memory_space<vmem>>) target(%dma_start3A_193 : memref<8192xf32, #tpu.memory_space<hbm>>) target_semaphore(%arg10 : memref<!tpu.dma_semaphore, #tpu.memory_space<semaphore_mem>>)
    %dma_wait3A_197 = arith.constant 0 : i32
    %dma_wait3A_198 = arith.constant 0 : i32
    %dma_wait3A_199 = tpu.memref_slice %arg7[%dma_wait3A_197, %dma_wait3A_198] : memref<2x16384xf32, #tpu.memory_space<vmem>> -> memref<1x8192xf32, #tpu.memory_space<vmem>>
    %dma_wait3A_200 = tpu.memref_squeeze %dma_wait3A_199 : memref<1x8192xf32, #tpu.memory_space<vmem>> -> memref<8192xf32, #tpu.memory_space<vmem>>
    %dma_wait3A_201 = tpu.memref_slice %arg4[%add3A_187] : memref<2097152xf32, #tpu.memory_space<hbm>> -> memref<8192xf32, #tpu.memory_space<hbm>>
    %dma_wait3A_202 = tpu.memref_slice %arg4[%add3A_187] : memref<2097152xf32, #tpu.memory_space<hbm>> -> memref<8192xf32, #tpu.memory_space<hbm>>
    %dma_wait3A_203 = arith.constant 0 : i32
    %dma_wait3A_204 = tpu.memref_slice %arg7[%dma_wait3A_197, %dma_wait3A_203] : memref<2x16384xf32, #tpu.memory_space<vmem>> -> memref<1x8192xf32, #tpu.memory_space<vmem>>
    %dma_wait3A_205 = tpu.memref_squeeze %dma_wait3A_204 : memref<1x8192xf32, #tpu.memory_space<vmem>> -> memref<8192xf32, #tpu.memory_space<vmem>>
    tpu.wait_dma2 semaphore(%arg10 : memref<!tpu.dma_semaphore, #tpu.memory_space<semaphore_mem>>) src(%dma_wait3A_205 : memref<8192xf32, #tpu.memory_space<vmem>>) dst(%dma_wait3A_202 : memref<8192xf32, #tpu.memory_space<hbm>>)
    %dma_wait3A_206 = arith.constant 1 : i32
    %dma_wait3A_207 = arith.constant 0 : i32
    %dma_wait3A_208 = tpu.memref_slice %arg7[%dma_wait3A_206, %dma_wait3A_207] : memref<2x16384xf32, #tpu.memory_space<vmem>> -> memref<1x16384xf32, #tpu.memory_space<vmem>>
    %dma_wait3A_209 = tpu.memref_squeeze %dma_wait3A_208 : memref<1x16384xf32, #tpu.memory_space<vmem>> -> memref<16384xf32, #tpu.memory_space<vmem>>
    %dma_wait3A_210 = tpu.memref_slice %arg4[%add3A_155] : memref<2097152xf32, #tpu.memory_space<hbm>> -> memref<16384xf32, #tpu.memory_space<hbm>>
    %dma_wait3A_211 = tpu.memref_slice %arg4[%add3A_155] : memref<2097152xf32, #tpu.memory_space<hbm>> -> memref<16384xf32, #tpu.memory_space<hbm>>
    %dma_wait3A_212 = arith.constant 0 : i32
    %dma_wait3A_213 = tpu.memref_slice %arg7[%dma_wait3A_206, %dma_wait3A_212] : memref<2x16384xf32, #tpu.memory_space<vmem>> -> memref<1x16384xf32, #tpu.memory_space<vmem>>
    %dma_wait3A_214 = tpu.memref_squeeze %dma_wait3A_213 : memref<1x16384xf32, #tpu.memory_space<vmem>> -> memref<16384xf32, #tpu.memory_space<vmem>>
    tpu.wait_dma2 semaphore(%arg11 : memref<!tpu.dma_semaphore, #tpu.memory_space<semaphore_mem>>) src(%dma_wait3A_214 : memref<16384xf32, #tpu.memory_space<vmem>>) dst(%dma_wait3A_211 : memref<16384xf32, #tpu.memory_space<hbm>>)
    return
  }
}

</mosaic_0001>

<sc_bundles>
// kernel: kernel.3.cloned.1.call-start
scs
__scs_entry_jumppad:
0x0: {  	(pc) =	sbr.rel $0x88, $3  }
0x1: {  	(tag) =	ssettag $0x0;
	lr =	simm.s32 $0x1  }
0x2: {  	[smem:$0x3F9F] =	sst lr;
	_ =	strace $0xD0000000  }
0x3: {  	_ = 	snop  }
0x4: {  	_ = 	snop  }
0x5: {  	_ = 	snop  }
0x6: {  	_ = 	snop  }
0x7: {  	_ = 	snop  }
__scs_overlays_trampoline_lowered:
0x8: {  	[smem:$0x3FAE] =	sst s0  }
0x9: {  	[smem:$0x3FAF] =	sst s1  }
0xa: {  	[smem:$0x3FB0] =	sst s2  }
0xb: {  	[smem:$0x3FB1] =	sst s3  }
0xc: {  	[smem:$0x3FB2] =	sst s4  }
0xd: {  	[smem:$0x3FB3] =	sst s5  }
0xe: {  	[smem:$0x3FB4] =	sst s6  }
0xf: {  	[smem:$0x3FB5] =	sst s7  }
0x10: {  	[smem:$0x3FB6] =	sst s8  }
0x11: {  	[smem:$0x3FB7] =	sst s9;
	s0 =	simm.s32 @!p0 $0x0  }
0x12: {  	s1 =	sld [smem:$0x3F9D];
	s0 =	simm.s32 @p0 $0x1  }
0x13: {  	[smem:$0x3FB8] =	sst s0;
	s0 =	simm.s32 @!p1 $0x0  }
0x14: {  	s2 =	sld [smem:$0x3F9C];
	s0 =	simm.s32 @p1 $0x1  }
0x15: {  	[smem:$0x3FB9] =	sst s0;
	s0 =	simm.s32 @!p2 $0x0  }
0x16: {  	s3 =	sld [smem:$0x3FDB];
	s0 =	simm.s32 @p2 $0x1  }
0x17: {  	s4 =	simm.s32 $0x1BF5;
	[smem:$0x3FBB] =	sst s0  }
0x18: {  	s0 =	sld [smem:$0x3F9E];
	_ =	swait.ge [sflag:s4], $0x0  }
0x19: {  	s7 =	sld [smem:$0x3F9F]  }
0x1a: {  	s8 =	sadd.s32 $0xFFFFE003, lr  }
0x1b: {  	s9 =	sadd.s32 $0xFFFFFEF7, lr;
	s5 =	simm.s32 $0xFFFFFFFF;
	p2 =	slt.u32 s8, $0xFFFFF086  }
0x1c: {  	p1 =	slt.u32 s9, $0xF7A;
	s5 =	simm.s32 @!p2 $0x0  }
0x1d: {  	s5 =	simm.s32 @p1 $0x1;
	p0 =	seq.s32 s7, s2  }
0x1e: {  	s7 =	smul.u32 @!p0 $0xF7A, s2;
	p2 =	seq.s32 @!p0 s5, $0x0  }
0x1f: {  	s9 =	smul.u32 $0xF7A, s1;
	s8 =	simm.s32 @!p0 $0x1BF5;
	p2 =	por !p2, p0  }
0x20: {  	[sflag:s8] =	ssyncset.s32 @!p0 $0xFFFFF086;
	s6 =	sadd.s32 @!p0 s3, s7;
	s7 =	simm.s32 @!p0 $0x108  }
0x21: {  	s3 =	sadd.s32 s3, s9;
	s6 =	sadd.s32 @!p0 $0x88, s6;
	s7 =	simm.s32 @p2 $0x1082  }
0x22: {  	[simem:s7], [sflag:s8] =	dma.local @!p0 [hbm:s6], $0xF7A  }
0x23: {  	s9 =	sor.u32 $0xD0000000, s2;
	s6 =	simm.s32 $0x108;
	_ =	swait.ge @!p0 [sflag:s8], $0x0  }
0x24: {  	s3 =	sadd.s32 $0x88, s3;
	s6 =	simm.s32 @!p1 $0x1082;
	[sflag:s4] =	ssyncset.s32 $0xFFFFF086  }
0x25: {  	[simem:s6], [sflag:s4] =	dma.local [hbm:s3], $0xF7A  }
0x26: {  	[smem:$0x3F9F] =	sst s1;
	(tag) =	ssettag s2;
	_ =	strace s9  }
0x27: {  	s1 =	sld [smem:$0x3FAF]  }
0x28: {  	s2 =	sld [smem:$0x3FB0]  }
0x29: {  	s4 =	sld [smem:$0x3FB2]  }
0x2a: {  	p0 =	seq.s32 s5, $0x0;
	s5 =	sld [smem:$0x3FB3]  }
0x2b: {  	s6 =	sld [smem:$0x3FB4]  }
0x2c: {  	s7 =	sld [smem:$0x3FB5]  }
0x2d: {  	s3 =	simm.s32 $0x108;
	s8 =	sld [smem:$0x3FB6]  }
0x2e: {  	s3 =	simm.s32 @!p0 $0x1082;
	s9 =	sld [smem:$0x3FB7]  }
0x2f: {  	lr =	sadd.s32 s0, s3;
	s0 =	sld [smem:$0x3FAE]  }
0x30: {  	s3 =	sld [smem:$0x3FB1]  }
0x31: {  	[smem:$0x3FBA] =	sst s10  }
0x32: {  	s10 =	sld [smem:$0x3FB8];
	_ =	sdelay $0x3  }
0x33: {  	p0 =	seq.s32 s10, $0x1;
	s10 =	sld [smem:$0x3FBA];
	_ =	sdelay $0x3  }
0x34: {  	[smem:$0x3FBA] =	sst s10  }
0x35: {  	s10 =	sld [smem:$0x3FB9];
	_ =	sdelay $0x3  }
0x36: {  	p1 =	seq.s32 s10, $0x1;
	s10 =	sld [smem:$0x3FBA];
	_ =	sdelay $0x3  }
0x37: {  	[smem:$0x3FBA] =	sst s10  }
0x38: {  	s10 =	sld [smem:$0x3FBB]  }
0x39: {  	_ = 	snop;
	(pc) =	sbr.ind lr, $3  }
0x3a: {  	_ = 	snop  }
0x3b: {  	_ = 	snop  }
0x3c: {  	p2 =	seq.s32 s10, $0x1;
	s10 =	sld [smem:$0x3FBA]  }
0x3d: {  	_ =	shalt  }
0x3e: {  	_ =	shalt  }
0x3f: {  	_ =	shalt  }
0x40: {  	_ =	shalt  }
0x41: {  	_ =	shalt  }
0x42: {  	_ =	shalt  }
0x43: {  	_ =	shalt  }
0x44: {  	_ =	shalt  }
0x45: {  	_ =	shalt  }
0x46: {  	_ =	shalt  }
0x47: {  	_ =	shalt  }
0x48: {  	_ =	shalt  }
0x49: {  	_ =	shalt  }
0x4a: {  	_ =	shalt  }
0x4b: {  	_ =	shalt  }
0x4c: {  	_ =	shalt  }
0x4d: {  	_ =	shalt  }
0x4e: {  	_ =	shalt  }
0x4f: {  	_ =	shalt  }
0x50: {  	_ =	shalt  }
0x51: {  	_ =	shalt  }
0x52: {  	_ =	shalt  }
0x53: {  	_ =	shalt  }
0x54: {  	_ =	shalt  }
0x55: {  	_ =	shalt  }
0x56: {  	_ =	shalt  }
0x57: {  	_ =	shalt  }
0x58: {  	_ =	shalt  }
0x59: {  	_ =	shalt  }
0x5a: {  	_ =	shalt  }
0x5b: {  	_ =	shalt  }
0x5c: {  	_ =	shalt  }
0x5d: {  	_ =	shalt  }
0x5e: {  	_ =	shalt  }
0x5f: {  	_ =	shalt  }
0x60: {  	_ =	shalt  }
0x61: {  	_ =	shalt  }
0x62: {  	_ =	shalt  }
0x63: {  	_ =	shalt  }
0x64: {  	_ =	shalt  }
0x65: {  	_ =	shalt  }
0x66: {  	_ =	shalt  }
0x67: {  	_ =	shalt  }
0x68: {  	_ =	shalt  }
0x69: {  	_ =	shalt  }
0x6a: {  	_ =	shalt  }
0x6b: {  	_ =	shalt  }
0x6c: {  	_ =	shalt  }
0x6d: {  	_ =	shalt  }
0x6e: {  	_ =	shalt  }
0x6f: {  	_ =	shalt  }
0x70: {  	_ =	shalt  }
0x71: {  	_ =	shalt  }
0x72: {  	_ =	shalt  }
0x73: {  	_ =	shalt  }
0x74: {  	_ =	shalt  }
0x75: {  	_ =	shalt  }
0x76: {  	_ =	shalt  }
0x77: {  	_ =	shalt  }
0x78: {  	_ =	shalt  }
0x79: {  	_ =	shalt  }
0x7a: {  	_ =	shalt  }
0x7b: {  	_ =	shalt  }
0x7c: {  	_ =	shalt  }
0x7d: {  	_ =	shalt  }
0x7e: {  	_ =	shalt  }
0x7f: {  	_ =	shalt  }
0x80: {  	_ =	shalt  }
0x81: {  	_ =	shalt  }
0x82: {  	_ =	shalt  }
0x83: {  	_ =	shalt  }
0x84: {  	_ =	shalt  }
0x85: {  	_ =	shalt  }
0x86: {  	_ =	shalt  }
0x87: {  	_ =	shalt  }
.Lfunc_end0:
.L_simem_size_0:
called_computation_lowered:
.L_overlay_start_0:
0x88: {  	s2 =	sld [smem:$0x3FD9]  }
0x89: {  	s3 =	sld [smem:$0x3FFE];
	_ =	sdelay $0x1  }
0x8a: {  	s1 =	srdreg.scid  }
0x8b: {  	s0 =	sand.u32 $0x1, s1  }
0x8c: {  	s18 =	sshll.u32 s0, $0xA;
	s2 =	sadd.s32 s3, s2  }
0x8d: {  	s2 =	sadd.s32 s2, s18  }
0x8e: {  	[smem:$0x3FC6] =	sst s2  }
0x8f: {  	_ = 	snop  }
0x90: {  	s2 =	sld [smem:$0x3FC9]  }
0x91: {  	s19 =	sld [smem:$0x3FC8]  }
0x92: {  	s4 =	sld [smem:$0x3FD0];
	(tm) =	ssettm $0x1  }
0x93: {  	s5 =	sld [smem:$0x3FFB];
	_ =	sdelay $0x3  }
0x94: {  	_ =	strace s5  }
0x95: {  	s5 =	sld [smem:$0x3FFC];
	_ =	sdelay $0x3  }
0x96: {  	_ =	strace s5  }
0x97: {  	s5 =	sld [smem:$0x3FFD];
	_ =	sdelay $0x3  }
0x98: {  	_ =	strace s5  }
0x99: {  	_ =	strace $0x8FFFFFFF  }
0x9a: {  	s20 =	sld [smem:$0x3FDB];
	_ =	sdelay $0x1  }
0x9b: {  	s6 =	simm.s32 $_scs_section_size  }
0x9c: {  	s7 =	simm.s32 $_size__tile_overlayer_lowered;
	s8 =	simm.s32 $_tile_overlayer_lowered  }
0x9d: {  	s23 =	simm.s32 $0x1BFF;
	s22 =	sshll.u32 s8, $0x1;
	s5 =	sadd.s32 s6, s20  }
0x9e: {  	s9 =	simm.s32 $0x0;
	s21 =	sshll.u32 s7, $0x1;
	s7 =	sadd.s32 s22, s5  }
0x9f: {  	[timem:s9], [sflag:s23] =	dma.local [hbm:s7], s21  }
0xa0: {  	_ =	swait.ge [sflag:s23], s21  }
0xa1: {  	s6 =	ssub.s32 $0x0, s21;
	[sflag:s23] =	ssyncset.done $0x0  }
0xa2: {  	[sflag:s23] =	ssyncadd.s32 s6;
	_ =	sdelay $0x1  }
0xa3: {  	s24 =	simm.s32 $0x1B8B  }
0xa4: {  	_ =	swait.ge [sflag:s24], $0x1  }
0xa5: {  	[sflag:s24] =	ssyncset.done $0x0  }
0xa6: {  	s25 =	simm.s32 $0x1B8E;
	[sflag:s24] =	ssyncadd.s32 $0xFFFFFFFF  }
0xa7: {  	s26 =	simm.s32 $execute0_lowered;
	[smem:$0x3FD2] =	sst s25  }
0xa8: {  	s6 =	sshll.u32 s26, $0x1;
	_ =	strace $0x80000046;
	[dreg:$0x1] =	wrdreg $0xFFFFFFFF  }
0xa9: {  	s28 =	simm.s32 $_size_execute0_lowered;
	s5 =	sadd.s32 s5, s6;
	[dreg:$0x0] =	wrdreg $0x0  }
0xaa: {  	s6 =	sshll.u32 s28, $0x1;
	[dreg:$0x2] =	wrdreg s5  }
0xab: {  	[dreg:$0x3] =	wrdreg s6  }
0xac: {  	[dreg:$0x4] =	wrdreg $0xC0  }
0xad: {  	_ =	task [dreg:s9], $0x5FFFF  }
0xae: {  	[dreg:$0x1] =	wrdreg $0xFFFFFFFF  }
0xaf: {  	[dreg:$0x0] =	wrdreg $0x60  }
0xb0: {  	[dreg:$0x2] =	wrdreg s2  }
0xb1: {  	[dreg:$0x3] =	wrdreg s19  }
0xb2: {  	[dreg:$0x4] =	wrdreg s4  }
0xb3: {  	[dreg:$0x5] =	wrdreg $0x9  }
0xb4: {  	_ =	task.clear_ibuf [dreg:s9], $0x6FFFF;
	_ =	strace $0x90000046  }
0xb5: {  	s29 =	simm.s32 $0x9;
	_ =	strace $0x80000048  }
0xb6: {  	_ =	swait.ge [sflag:s29], $0x1  }
0xb7: {  	[sflag:s29] =	ssyncadd.s32 $0xFFFFFFFF  }
0xb8: {  	_ =	strace $0x90000048  }
0xb9: {  	_ =	sfence  }
0xba: {  	s30 =	sld [smem:$0x0];
	_ =	sdelay $0x2  }
0xbb: {  	s31 =	sshll.u32 s1, $0xD;
	s1 =	sshrl.u32 s1, $0x2  }
0xbc: {  	s3 =	sand.u32 $0x4000, s31;
	s1 =	sadd.s32 s1, s30  }
0xbd: {  	s0 =	sor.u32 s3, s0;
	s1 =	sshll.u32 s1, $0x11  }
0xbe: {  	s0 =	sor.u32 s1, s0  }
0xbf: {  	s0 =	sadd.s32 $0x8F2B, s0  }
0xc0: {  	[sflag:s0] =	ssyncadd.remote.s32 $0x1  }
0xc1: {  	_ =	sfence.sel $0xFFFF  }
0xc2: {  	[dreg:$0x0] =	wrdreg $0xFFFFFFFF;
	(pc) =	sbr.abs _section_cstart, $3  }
0xc3: {  	[dreg:$0x1] =	wrdreg $0xFFFFFFFF  }
0xc4: {  	_ =	task.clear_ibuf [dreg:s9], $0x2FFFF;
	_ =	strace $0x9FFFFFFF  }
0xc5: {  	(tm) =	ssettm $0x7FFFFFFF  }
tec
execute0_lowered:
.L_overlay_start_1:
0x0: {  	(tag) =	ssettag $0x1  }
0x1: {  	s10 =	rddreg [dreg:$0x0]  }
0x2: {  	s1 =	rddreg [dreg:$0x1]  }
0x3: {  	s13 =	rddreg [dreg:$0x2]  }
0x4: {  	s0 =	rddreg [dreg:$0x3];
	s4 =	srdreg.scid  }
0x5: {  	s3 =	simm.s32 $0x0;
	s2 =	stileid.u32;
	s17 =	simm.s32 $0x5  }
0x6: {  	s18 =	simm.s32 $0x1;
	s19 =	simm.s32 $0x8080;
	s20 =	simm.s32 $0x2  }
0x7: {  	s21 =	simm.s32 $0xC080;
	s22 =	simm.s32 $0x3;
	s23 =	simm.s32 $0x4  }
0x8: {  	s24 =	simm.s32 $0x0;
	s4 =	sand.u32 $0x1, s4;
	s6 =	sshll.u32 s2, $0xE  }
0x9: {  	[smem:$0x7FF] =	sst s3;
	s5 =	ssub.s32 $0x2, s4;
	s4 =	sshll.u32 s4, $0xD  }
0xa: {  	_ =	strace $0x80000047;
	s7 =	sshrl.u32 s5, $0x1;
	s11 =	sor.u32 s4, s6  }
0xb: {  	s14 =	ssub.s32 s5, s7;
	s9 =	sor.u32 $0x400, s11;
	s4 =	sadd.s32 s10, s11  }
0xc: {  	s12 =	sor.u32 $0xC00, s11;
	s7 =	sadd.s32 s13, s11;
	s15 =	sor.u32 $0x1400, s11  }
0xd: {  	s16 =	sor.u32 $0x1C00, s11;
	s5 =	sadd.s32 s10, s9;
	s6 =	sadd.s32 s10, s12  }
0xe: {  	s8 =	sadd.s32 s10, s15;
	s9 =	sadd.s32 s13, s9;
	s10 =	sadd.s32 s10, s16  }
0xf: {  	s11 =	sadd.s32 s13, s12;
	s12 =	sadd.s32 s13, s15;
	s13 =	sadd.s32 s13, s16  }
0x10: {  	s14 =	smax.u32 s14, $0x1;
	s15 =	simm.s32 $0x80;
	s16 =	simm.s32 $0x4080  }
.LBB2_1:
0x11: {  	[tilespmem:s15], [sflag:$0x1] =	stream.linear.gather [hbm4b:s4+s3], $0x2000, $0x38;
	[tilespmem:$0x10080] =	vst v63  }
0x12: {  	_ = 	snop  }
0x13: {  	[tilespmem:s16], [sflag:$0x2] =	stream.linear.gather [hbm4b:s5+s3], $0x4000, $0x38;
	[tilespmem:$0x10080] =	vst v63  }
0x14: {  	_ = 	snop  }
0x15: {  	[tilespmem:s3], [sflag:$0x5] =	stream.linear.gather [hbm4b:s1+s3], $0x7B, $0x38;
	[tilespmem:$0x10080] =	vst v63  }
0x16: {  	_ =	swait.ge [sflag:s17], $0x7B  }
0x17: {  	[sflag:s17] =	ssyncset.done $0x0  }
0x18: {  	[sflag:s17] =	ssyncadd.s32 $0xFFFFFF85  }
0x19: {  	_ =	swait.ge [sflag:s18], $0x2000  }
0x1a: {  	[sflag:s18] =	ssyncset.done $0x0  }
0x1b: {  	s25 =	simm.s32 $0xC0;
	[sflag:s18] =	ssyncadd.s32 $0xFFFFE000  }
0x1c: {  	v0 =	vld [tilespmem:s25+$0x30]  }
0x1d: {  	v1 =	vld [tilespmem:s25+$0xFFFFFFD0]  }
0x1e: {  	v2 =	vld [tilespmem:s25+$0xFFFFFFE0]  }
0x1f: {  	v3 =	vld [tilespmem:s25+$0xFFFFFFF0]  }
0x20: {  	v4 =	vld [tilespmem:s25+$0x0]  }
0x21: {  	v6 =	vld [tilespmem:s25+$0x10]  }
0x22: {  	v7 =	vld [tilespmem:s25+$0x20]  }
0x23: {  	v8 =	vld [tilespmem:s25+$0xFFFFFFC0]  }
0x24: {  	v9 =	vld.idx.msk [tilespmem:v0+s3+$0x0], $0xffff  }
0x25: {  	v10 =	vld.idx.msk [tilespmem:v1+s3+$0x0], $0xffff  }
0x26: {  	v5 =	vld.idx.msk [tilespmem:v2+s3+$0x0], $0xffff  }
0x27: {  	v3 =	vld.idx.msk [tilespmem:v3+s3+$0x0], $0xffff  }
0x28: {  	v0 =	vld.idx.msk [tilespmem:v4+s3+$0x0], $0xffff  }
0x29: {  	s25 =	simm.s32 $0x80C0;
	v1 =	vld.idx.msk [tilespmem:v6+s3+$0x0], $0xffff  }
0x2a: {  	v2 =	vld.idx.msk [tilespmem:v7+s3+$0x0], $0xffff;
	[tilespmem:s25+$0x30] =	vst v9  }
0x2b: {  	s26 =	simm.s32 $0x0;
	s28 =	simm.s32 $0x140;
	v4 =	vld.idx.msk [tilespmem:v8+s3+$0x0], $0xffff;
	[tilespmem:s25+$0xFFFFFFD0] =	vst v10  }
.LBB2_2:
0x2c: {  	v6 =	vld [tilespmem:s28+$0x30];
	s26 =	sadd.s32 $0x8, s26;
	[tilespmem:s25+$0xFFFFFFE0] =	vst v5  }
0x2d: {  	v5 =	vld [tilespmem:s28+$0xFFFFFFD0];
	p0 =	slt.u32 s26, $0x1F8;
	[tilespmem:s25+$0xFFFFFFF0] =	vst v3  }
0x2e: {  	v3 =	vld [tilespmem:s28+$0xFFFFFFE0];
	[tilespmem:s25+$0x0] =	vst v0  }
0x2f: {  	v0 =	vld [tilespmem:s28+$0xFFFFFFF0];
	[tilespmem:s25+$0x10] =	vst v1  }
0x30: {  	v1 =	vld [tilespmem:s28+$0x0];
	[tilespmem:s25+$0x20] =	vst v2  }
0x31: {  	v2 =	vld [tilespmem:s28+$0x10];
	[tilespmem:s25+$0xFFFFFFC0] =	vst v4  }
0x32: {  	v4 =	vld [tilespmem:s28+$0x20]  }
0x33: {  	v7 =	vld [tilespmem:s28+$0xFFFFFFC0]  }
0x34: {  	v6 =	vld.idx.msk [tilespmem:v6+s3+$0x0], $0xffff  }
0x35: {  	v8 =	vld.idx.msk [tilespmem:v5+s3+$0x0], $0xffff  }
0x36: {  	v5 =	vld.idx.msk [tilespmem:v3+s3+$0x0], $0xffff  }
.Ltmp0:
0x37: {  	v3 =	vld.idx.msk [tilespmem:v0+s3+$0x0], $0xffff;
	(pc) =	sbr.rel @p0 .LBB2_2-.Ltmp0, $4  }
0x38: {  	v0 =	vld.idx.msk [tilespmem:v1+s3+$0x0], $0xffff  }
0x39: {  	s25 =	sadd.s32 $0x80, s25;
	v1 =	vld.idx.msk [tilespmem:v2+s3+$0x0], $0xffff  }
0x3a: {  	v2 =	vld.idx.msk [tilespmem:v4+s3+$0x0], $0xffff;
	[tilespmem:s25+$0x30] =	vst v6  }
0x3b: {  	s28 =	sadd.s32 $0x80, s28;
	v4 =	vld.idx.msk [tilespmem:v7+s3+$0x0], $0xffff;
	[tilespmem:s25+$0xFFFFFFD0] =	vst v8  }
0x3c: {  	[tilespmem:s25+$0xFFFFFFE0] =	vst v5  }
0x3d: {  	[tilespmem:s25+$0xFFFFFFF0] =	vst v3  }
0x3e: {  	[tilespmem:s25+$0x0] =	vst v0  }
0x3f: {  	[tilespmem:s25+$0x10] =	vst v1  }
0x40: {  	[tilespmem:s25+$0x20] =	vst v2  }
0x41: {  	s31 =	simm.s32 $0x0;
	[tilespmem:s25+$0xFFFFFFC0] =	vst v4  }
0x42: {  	[tilespmem:s15], [sflag:$0x1] =	stream.linear.gather [hbm4b:s6+s31], $0x4000, $0x38;
	[tilespmem:$0x10080] =	vst v63  }
0x43: {  	_ = 	snop  }
0x44: {  	[hbm4b:s7+s31] =	stream.linear.scatter [tilespmem:s19], [sflag:$0x3], $0x2000, $0x38;
	[tilespmem:$0x10080] =	vst v63  }
0x45: {  	_ =	swait.ge [sflag:s20], $0x4000  }
0x46: {  	[sflag:s20] =	ssyncset.done $0x0  }
0x47: {  	s25 =	simm.s32 $0x0;
	[sflag:s20] =	ssyncadd.s32 $0xFFFFC000  }
0x48: {  	v1 =	vld [tilespmem:s25+$0x40F0]  }
0x49: {  	v2 =	vld [tilespmem:s25+$0x4080]  }
0x4a: {  	v3 =	vld [tilespmem:s25+$0x4090]  }
0x4b: {  	v4 =	vld [tilespmem:s25+$0x40A0]  }
0x4c: {  	v7 =	vld [tilespmem:s25+$0x40B0]  }
0x4d: {  	v8 =	vld [tilespmem:s25+$0x40C0]  }
0x4e: {  	v9 =	vld [tilespmem:s25+$0x40D0]  }
0x4f: {  	v0 =	vld [tilespmem:s25+$0x40E0]  }
0x50: {  	v10 =	vld.idx.msk [tilespmem:v1+s3+$0x0], $0xffff  }
0x51: {  	v6 =	vld.idx.msk [tilespmem:v2+s3+$0x0], $0xffff  }
0x52: {  	v5 =	vld.idx.msk [tilespmem:v3+s3+$0x0], $0xffff  }
0x53: {  	v4 =	vld.idx.msk [tilespmem:v4+s3+$0x0], $0xffff  }
0x54: {  	v3 =	vld.idx.msk [tilespmem:v7+s3+$0x0], $0xffff  }
0x55: {  	v1 =	vld.idx.msk [tilespmem:v8+s3+$0x0], $0xffff  }
0x56: {  	s26 =	simm.s32 $0x0;
	s28 =	simm.s32 $0x200;
	v2 =	vld.idx.msk [tilespmem:v9+s3+$0x0], $0xffff;
	[tilespmem:s25+$0xC0F0] =	vst v10  }
.LBB2_4:
0x57: {  	s29 =	sshra.s32 s28, $0x2;
	s26 =	sadd.s32 $0x8, s26;
	[tilespmem:s25+$0xC080] =	vst v6;
	v0 =	vld.idx.msk [tilespmem:v0+s3+$0x0], $0xffff  }
0x58: {  	v6 =	vld [tilespmem:s29+$0x40F0];
	p0 =	slt.u32 s26, $0x3F8;
	[tilespmem:s25+$0xC090] =	vst v5  }
0x59: {  	v5 =	vld [tilespmem:s29+$0x4080];
	[tilespmem:s25+$0xC0A0] =	vst v4  }
0x5a: {  	v4 =	vld [tilespmem:s29+$0x4090];
	[tilespmem:s25+$0xC0B0] =	vst v3  }
0x5b: {  	v3 =	vld [tilespmem:s29+$0x40A0];
	[tilespmem:s25+$0xC0C0] =	vst v1  }
0x5c: {  	v1 =	vld [tilespmem:s29+$0x40B0];
	[tilespmem:s25+$0xC0D0] =	vst v2  }
0x5d: {  	v2 =	vld [tilespmem:s29+$0x40C0];
	[tilespmem:s25+$0xC0E0] =	vst v0;
	s25 =	smov.u32 s29  }
0x5e: {  	v7 =	vld [tilespmem:s25+$0x40D0]  }
0x5f: {  	v0 =	vld [tilespmem:s25+$0x40E0]  }
0x60: {  	v8 =	vld.idx.msk [tilespmem:v6+s3+$0x0], $0xffff  }
0x61: {  	v6 =	vld.idx.msk [tilespmem:v5+s3+$0x0], $0xffff  }
.Ltmp1:
0x62: {  	v5 =	vld.idx.msk [tilespmem:v4+s3+$0x0], $0xffff;
	(pc) =	sbr.rel @p0 .LBB2_4-.Ltmp1, $4  }
0x63: {  	v4 =	vld.idx.msk [tilespmem:v3+s3+$0x0], $0xffff  }
0x64: {  	v3 =	vld.idx.msk [tilespmem:v1+s3+$0x0], $0xffff  }
0x65: {  	v1 =	vld.idx.msk [tilespmem:v2+s3+$0x0], $0xffff  }
0x66: {  	s28 =	sadd.s32 $0x200, s28;
	v2 =	vld.idx.msk [tilespmem:v7+s3+$0x0], $0xffff;
	[tilespmem:s25+$0xC0F0] =	vst v8  }
0x67: {  	_ =	sdelay $0x2  }
0x68: {  	[tilespmem:s25+$0xC080] =	vst v6  }
0x69: {  	v0 =	vld.idx.msk [tilespmem:v0+s3+$0x0], $0xffff;
	[tilespmem:s25+$0xC090] =	vst v5  }
0x6a: {  	[tilespmem:s25+$0xC0A0] =	vst v4  }
0x6b: {  	[tilespmem:s25+$0xC0B0] =	vst v3  }
0x6c: {  	[tilespmem:s25+$0xC0C0] =	vst v1  }
0x6d: {  	[tilespmem:s25+$0xC0D0] =	vst v2  }
0x6e: {  	[tilespmem:s25+$0xC0E0] =	vst v0  }
0x6f: {  	[tilespmem:s16], [sflag:$0x2] =	stream.linear.gather [hbm4b:s8+s3], $0x4000, $0x38;
	[tilespmem:$0x10080] =	vst v63  }
0x70: {  	_ = 	snop  }
0x71: {  	[hbm4b:s9+s3] =	stream.linear.scatter [tilespmem:s21], [sflag:$0x4], $0x4000, $0x38;
	[tilespmem:$0x10080] =	vst v63  }
0x72: {  	_ =	swait.ge [sflag:s18], $0x4000  }
0x73: {  	[sflag:s18] =	ssyncset.done $0x0  }
0x74: {  	[sflag:s18] =	ssyncadd.s32 $0xFFFFC000  }
0x75: {  	_ =	swait.ge [sflag:s22], $0x2000  }
0x76: {  	[sflag:s22] =	ssyncset.done $0x0  }
0x77: {  	s31 =	simm.s32 $0xC0;
	[sflag:s22] =	ssyncadd.s32 $0xFFFFE000  }
0x78: {  	v0 =	vld [tilespmem:s31+$0x30]  }
0x79: {  	v1 =	vld [tilespmem:s31+$0xFFFFFFD0]  }
0x7a: {  	v2 =	vld [tilespmem:s31+$0xFFFFFFE0]  }
0x7b: {  	v3 =	vld [tilespmem:s31+$0xFFFFFFF0]  }
0x7c: {  	v4 =	vld [tilespmem:s31+$0x0]  }
0x7d: {  	v6 =	vld [tilespmem:s31+$0x10]  }
0x7e: {  	v7 =	vld [tilespmem:s31+$0x20]  }
0x7f: {  	v8 =	vld [tilespmem:s31+$0xFFFFFFC0]  }
0x80: {  	v9 =	vld.idx.msk [tilespmem:v0+s3+$0x0], $0xffff  }
0x81: {  	v10 =	vld.idx.msk [tilespmem:v1+s3+$0x0], $0xffff  }
0x82: {  	v5 =	vld.idx.msk [tilespmem:v2+s3+$0x0], $0xffff  }
0x83: {  	v3 =	vld.idx.msk [tilespmem:v3+s3+$0x0], $0xffff  }
0x84: {  	v0 =	vld.idx.msk [tilespmem:v4+s3+$0x0], $0xffff  }
0x85: {  	s25 =	simm.s32 $0x80C0;
	v1 =	vld.idx.msk [tilespmem:v6+s3+$0x0], $0xffff  }
0x86: {  	v2 =	vld.idx.msk [tilespmem:v7+s3+$0x0], $0xffff;
	[tilespmem:s25+$0x30] =	vst v9  }
0x87: {  	s26 =	simm.s32 $0x0;
	s28 =	simm.s32 $0x140;
	v4 =	vld.idx.msk [tilespmem:v8+s3+$0x0], $0xffff;
	[tilespmem:s25+$0xFFFFFFD0] =	vst v10  }
.LBB2_6:
0x88: {  	v6 =	vld [tilespmem:s28+$0x30];
	s26 =	sadd.s32 $0x8, s26;
	[tilespmem:s25+$0xFFFFFFE0] =	vst v5  }
0x89: {  	v5 =	vld [tilespmem:s28+$0xFFFFFFD0];
	p0 =	slt.u32 s26, $0x3F8;
	[tilespmem:s25+$0xFFFFFFF0] =	vst v3  }
0x8a: {  	v3 =	vld [tilespmem:s28+$0xFFFFFFE0];
	[tilespmem:s25+$0x0] =	vst v0  }
0x8b: {  	v0 =	vld [tilespmem:s28+$0xFFFFFFF0];
	[tilespmem:s25+$0x10] =	vst v1  }
0x8c: {  	v1 =	vld [tilespmem:s28+$0x0];
	[tilespmem:s25+$0x20] =	vst v2  }
0x8d: {  	v2 =	vld [tilespmem:s28+$0x10];
	[tilespmem:s25+$0xFFFFFFC0] =	vst v4  }
0x8e: {  	v4 =	vld [tilespmem:s28+$0x20]  }
0x8f: {  	v7 =	vld [tilespmem:s28+$0xFFFFFFC0]  }
0x90: {  	v6 =	vld.idx.msk [tilespmem:v6+s3+$0x0], $0xffff  }
0x91: {  	v8 =	vld.idx.msk [tilespmem:v5+s3+$0x0], $0xffff  }
0x92: {  	v5 =	vld.idx.msk [tilespmem:v3+s3+$0x0], $0xffff  }
.Ltmp2:
0x93: {  	v3 =	vld.idx.msk [tilespmem:v0+s3+$0x0], $0xffff;
	(pc) =	sbr.rel @p0 .LBB2_6-.Ltmp2, $4  }
0x94: {  	v0 =	vld.idx.msk [tilespmem:v1+s3+$0x0], $0xffff  }
0x95: {  	s25 =	sadd.s32 $0x80, s25;
	v1 =	vld.idx.msk [tilespmem:v2+s3+$0x0], $0xffff  }
0x96: {  	v2 =	vld.idx.msk [tilespmem:v4+s3+$0x0], $0xffff;
	[tilespmem:s25+$0x30] =	vst v6  }
0x97: {  	s28 =	sadd.s32 $0x80, s28;
	v4 =	vld.idx.msk [tilespmem:v7+s3+$0x0], $0xffff;
	[tilespmem:s25+$0xFFFFFFD0] =	vst v8  }
0x98: {  	[tilespmem:s25+$0xFFFFFFE0] =	vst v5  }
0x99: {  	[tilespmem:s25+$0xFFFFFFF0] =	vst v3  }
0x9a: {  	[tilespmem:s25+$0x0] =	vst v0  }
0x9b: {  	[tilespmem:s25+$0x10] =	vst v1  }
0x9c: {  	[tilespmem:s25+$0x20] =	vst v2  }
0x9d: {  	s31 =	simm.s32 $0x0;
	[tilespmem:s25+$0xFFFFFFC0] =	vst v4  }
0x9e: {  	[tilespmem:s15], [sflag:$0x1] =	stream.linear.gather [hbm4b:s10+s31], $0x2000, $0x38;
	[tilespmem:$0x10080] =	vst v63  }
0x9f: {  	_ = 	snop  }
0xa0: {  	[hbm4b:s11+s31] =	stream.linear.scatter [tilespmem:s19], [sflag:$0x3], $0x4000, $0x38;
	[tilespmem:$0x10080] =	vst v63  }
0xa1: {  	_ =	swait.ge [sflag:s20], $0x4000  }
0xa2: {  	[sflag:s20] =	ssyncset.done $0x0  }
0xa3: {  	[sflag:s20] =	ssyncadd.s32 $0xFFFFC000  }
0xa4: {  	_ =	swait.ge [sflag:s23], $0x4000  }
0xa5: {  	[sflag:s23] =	ssyncset.done $0x0  }
0xa6: {  	s25 =	simm.s32 $0x0;
	[sflag:s23] =	ssyncadd.s32 $0xFFFFC000  }
0xa7: {  	v1 =	vld [tilespmem:s25+$0x40F0]  }
0xa8: {  	v2 =	vld [tilespmem:s25+$0x4080]  }
0xa9: {  	v3 =	vld [tilespmem:s25+$0x4090]  }
0xaa: {  	v4 =	vld [tilespmem:s25+$0x40A0]  }
0xab: {  	v7 =	vld [tilespmem:s25+$0x40B0]  }
0xac: {  	v8 =	vld [tilespmem:s25+$0x40C0]  }
0xad: {  	v9 =	vld [tilespmem:s25+$0x40D0]  }
0xae: {  	v0 =	vld [tilespmem:s25+$0x40E0]  }
0xaf: {  	v10 =	vld.idx.msk [tilespmem:v1+s3+$0x0], $0xffff  }
0xb0: {  	v6 =	vld.idx.msk [tilespmem:v2+s3+$0x0], $0xffff  }
0xb1: {  	v5 =	vld.idx.msk [tilespmem:v3+s3+$0x0], $0xffff  }
0xb2: {  	v4 =	vld.idx.msk [tilespmem:v4+s3+$0x0], $0xffff  }
0xb3: {  	v3 =	vld.idx.msk [tilespmem:v7+s3+$0x0], $0xffff  }
0xb4: {  	v1 =	vld.idx.msk [tilespmem:v8+s3+$0x0], $0xffff  }
0xb5: {  	s26 =	simm.s32 $0x0;
	s28 =	simm.s32 $0x200;
	v2 =	vld.idx.msk [tilespmem:v9+s3+$0x0], $0xffff;
	[tilespmem:s25+$0xC0F0] =	vst v10  }
.LBB2_8:
0xb6: {  	s29 =	sshra.s32 s28, $0x2;
	s26 =	sadd.s32 $0x8, s26;
	[tilespmem:s25+$0xC080] =	vst v6;
	v0 =	vld.idx.msk [tilespmem:v0+s3+$0x0], $0xffff  }
0xb7: {  	v6 =	vld [tilespmem:s29+$0x40F0];
	p0 =	slt.u32 s26, $0x3F8;
	[tilespmem:s25+$0xC090] =	vst v5  }
0xb8: {  	v5 =	vld [tilespmem:s29+$0x4080];
	[tilespmem:s25+$0xC0A0] =	vst v4  }
0xb9: {  	v4 =	vld [tilespmem:s29+$0x4090];
	[tilespmem:s25+$0xC0B0] =	vst v3  }
0xba: {  	v3 =	vld [tilespmem:s29+$0x40A0];
	[tilespmem:s25+$0xC0C0] =	vst v1  }
0xbb: {  	v1 =	vld [tilespmem:s29+$0x40B0];
	[tilespmem:s25+$0xC0D0] =	vst v2  }
0xbc: {  	v2 =	vld [tilespmem:s29+$0x40C0];
	[tilespmem:s25+$0xC0E0] =	vst v0;
	s25 =	smov.u32 s29  }
0xbd: {  	v7 =	vld [tilespmem:s25+$0x40D0]  }
0xbe: {  	v0 =	vld [tilespmem:s25+$0x40E0]  }
0xbf: {  	v8 =	vld.idx.msk [tilespmem:v6+s3+$0x0], $0xffff  }
0xc0: {  	v6 =	vld.idx.msk [tilespmem:v5+s3+$0x0], $0xffff  }
.Ltmp3:
0xc1: {  	v5 =	vld.idx.msk [tilespmem:v4+s3+$0x0], $0xffff;
	(pc) =	sbr.rel @p0 .LBB2_8-.Ltmp3, $4  }
0xc2: {  	v4 =	vld.idx.msk [tilespmem:v3+s3+$0x0], $0xffff  }
0xc3: {  	v3 =	vld.idx.msk [tilespmem:v1+s3+$0x0], $0xffff  }
0xc4: {  	v1 =	vld.idx.msk [tilespmem:v2+s3+$0x0], $0xffff  }
0xc5: {  	s28 =	sadd.s32 $0x200, s28;
	v2 =	vld.idx.msk [tilespmem:v7+s3+$0x0], $0xffff;
	[tilespmem:s25+$0xC0F0] =	vst v8  }
0xc6: {  	_ =	sdelay $0x2  }
0xc7: {  	[tilespmem:s25+$0xC080] =	vst v6  }
0xc8: {  	v0 =	vld.idx.msk [tilespmem:v0+s3+$0x0], $0xffff;
	[tilespmem:s25+$0xC090] =	vst v5  }
0xc9: {  	[tilespmem:s25+$0xC0A0] =	vst v4  }
0xca: {  	[tilespmem:s25+$0xC0B0] =	vst v3  }
0xcb: {  	[tilespmem:s25+$0xC0C0] =	vst v1  }
0xcc: {  	[tilespmem:s25+$0xC0D0] =	vst v2  }
0xcd: {  	[tilespmem:s25+$0xC0E0] =	vst v0  }
0xce: {  	[hbm4b:s12+s3] =	stream.linear.scatter [tilespmem:s21], [sflag:$0x4], $0x4000, $0x38;
	[tilespmem:$0x10080] =	vst v63  }
0xcf: {  	_ =	swait.ge [sflag:s18], $0x2000  }
0xd0: {  	[sflag:s18] =	ssyncset.done $0x0  }
0xd1: {  	[sflag:s18] =	ssyncadd.s32 $0xFFFFE000  }
0xd2: {  	_ =	swait.ge [sflag:s22], $0x4000  }
0xd3: {  	[sflag:s22] =	ssyncset.done $0x0  }
0xd4: {  	s31 =	simm.s32 $0xC0;
	[sflag:s22] =	ssyncadd.s32 $0xFFFFC000  }
0xd5: {  	v0 =	vld [tilespmem:s31+$0x30]  }
0xd6: {  	v1 =	vld [tilespmem:s31+$0xFFFFFFD0]  }
0xd7: {  	v2 =	vld [tilespmem:s31+$0xFFFFFFE0]  }
0xd8: {  	v3 =	vld [tilespmem:s31+$0xFFFFFFF0]  }
0xd9: {  	v4 =	vld [tilespmem:s31+$0x0]  }
0xda: {  	v6 =	vld [tilespmem:s31+$0x10]  }
0xdb: {  	v7 =	vld [tilespmem:s31+$0x20]  }
0xdc: {  	v8 =	vld [tilespmem:s31+$0xFFFFFFC0]  }
0xdd: {  	v9 =	vld.idx.msk [tilespmem:v0+s3+$0x0], $0xffff  }
0xde: {  	v10 =	vld.idx.msk [tilespmem:v1+s3+$0x0], $0xffff  }
0xdf: {  	v5 =	vld.idx.msk [tilespmem:v2+s3+$0x0], $0xffff  }
0xe0: {  	v3 =	vld.idx.msk [tilespmem:v3+s3+$0x0], $0xffff  }
0xe1: {  	v0 =	vld.idx.msk [tilespmem:v4+s3+$0x0], $0xffff  }
0xe2: {  	s25 =	simm.s32 $0x80C0;
	v1 =	vld.idx.msk [tilespmem:v6+s3+$0x0], $0xffff  }
0xe3: {  	v2 =	vld.idx.msk [tilespmem:v7+s3+$0x0], $0xffff;
	[tilespmem:s25+$0x30] =	vst v9  }
0xe4: {  	s26 =	simm.s32 $0x0;
	s28 =	simm.s32 $0x140;
	v4 =	vld.idx.msk [tilespmem:v8+s3+$0x0], $0xffff;
	[tilespmem:s25+$0xFFFFFFD0] =	vst v10  }
.LBB2_10:
0xe5: {  	v6 =	vld [tilespmem:s28+$0x30];
	s26 =	sadd.s32 $0x8, s26;
	[tilespmem:s25+$0xFFFFFFE0] =	vst v5  }
0xe6: {  	v5 =	vld [tilespmem:s28+$0xFFFFFFD0];
	p0 =	slt.u32 s26, $0x1F8;
	[tilespmem:s25+$0xFFFFFFF0] =	vst v3  }
0xe7: {  	v3 =	vld [tilespmem:s28+$0xFFFFFFE0];
	[tilespmem:s25+$0x0] =	vst v0  }
0xe8: {  	v0 =	vld [tilespmem:s28+$0xFFFFFFF0];
	[tilespmem:s25+$0x10] =	vst v1  }
0xe9: {  	v1 =	vld [tilespmem:s28+$0x0];
	[tilespmem:s25+$0x20] =	vst v2  }
0xea: {  	v2 =	vld [tilespmem:s28+$0x10];
	[tilespmem:s25+$0xFFFFFFC0] =	vst v4  }
0xeb: {  	v4 =	vld [tilespmem:s28+$0x20]  }
0xec: {  	v7 =	vld [tilespmem:s28+$0xFFFFFFC0]  }
0xed: {  	v6 =	vld.idx.msk [tilespmem:v6+s3+$0x0], $0xffff  }
0xee: {  	v8 =	vld.idx.msk [tilespmem:v5+s3+$0x0], $0xffff  }
0xef: {  	v5 =	vld.idx.msk [tilespmem:v3+s3+$0x0], $0xffff  }
.Ltmp4:
0xf0: {  	v3 =	vld.idx.msk [tilespmem:v0+s3+$0x0], $0xffff;
	(pc) =	sbr.rel @p0 .LBB2_10-.Ltmp4, $4  }
0xf1: {  	v0 =	vld.idx.msk [tilespmem:v1+s3+$0x0], $0xffff  }
0xf2: {  	s25 =	sadd.s32 $0x80, s25;
	v1 =	vld.idx.msk [tilespmem:v2+s3+$0x0], $0xffff  }
0xf3: {  	v2 =	vld.idx.msk [tilespmem:v4+s3+$0x0], $0xffff;
	[tilespmem:s25+$0x30] =	vst v6  }
0xf4: {  	s28 =	sadd.s32 $0x80, s28;
	v4 =	vld.idx.msk [tilespmem:v7+s3+$0x0], $0xffff;
	[tilespmem:s25+$0xFFFFFFD0] =	vst v8  }
0xf5: {  	[tilespmem:s25+$0xFFFFFFE0] =	vst v5  }
0xf6: {  	[tilespmem:s25+$0xFFFFFFF0] =	vst v3  }
0xf7: {  	[tilespmem:s25+$0x0] =	vst v0  }
0xf8: {  	[tilespmem:s25+$0x10] =	vst v1  }
0xf9: {  	[tilespmem:s25+$0x20] =	vst v2  }
0xfa: {  	s24 =	sadd.s32 $0x1, s24;
	[tilespmem:s25+$0xFFFFFFC0] =	vst v4  }
0xfb: {  	[hbm4b:s13+s3] =	stream.linear.scatter [tilespmem:s19], [sflag:$0x3], $0x2000, $0x38;
	[tilespmem:$0x10080] =	vst v63  }
0xfc: {  	p0 =	sne.s32 s24, s14;
	_ =	swait.ge [sflag:s22], $0x2000  }
.Ltmp5:
0xfd: {  	[sflag:s22] =	ssyncset.done $0x0;
	(pc) =	sbr.rel @p0 .LBB2_1-.Ltmp5, $4  }
0xfe: {  	[sflag:s22] =	ssyncadd.s32 $0xFFFFE000  }
0xff: {  	_ =	swait.ge [sflag:s23], $0x4000  }
0x100: {  	[sflag:s23] =	ssyncset.done $0x0  }
0x101: {  	[sflag:s23] =	ssyncadd.s32 $0xFFFFC000  }
0x102: {  	_ =	sfence.sel $0x180000  }
0x103: {  	[bflag:$0x0] =	sbarrier.arrive $0xFFFF  }
0x104: {  	p0 =	sne.s32 s2, $0x0;
	_ =	strace $0x90000047  }
0x105: {  	s0 =	sadd.s32 @!p0 $0x100000, s0;
	[bflag:$0x2] =	sbarrier.arrive $0xFFFF  }
0x106: {  	[sflag:s0] =	ssyncadd.tile.s32 @!p0 $0x1;
	_ =	shalt  }
.Lfunc_end2:
_tile_overlayer_lowered:
.L_overlay_start_2:
0x107: {  	(tag) =	ssettag $0x2  }
0x108: {  	s0 =	rddreg [dreg:$0x0];
	s2 =	stileid.u32  }
0x109: {  	s1 =	rddreg [dreg:$0x1];
	p0 =	sne.s32 s2, $0x0  }
0x10a: {  	s3 =	rddreg [dreg:$0x2];
	[bflag:$0x3] =	sbarrier.arrive $0xFFFF;
	s2 =	simm.s32 @!p0 $0x1C05  }
0x10b: {  	[timem:s3], [sflag:s2] =	dma.local @!p0 [hbm:s0], s1  }
0x10c: {  	s0 =	simm.s32 @!p0 $0x5  }
0x10d: {  	_ =	swait.ge @!p0 [sflag:s0], s1  }
0x10e: {  	s1 =	ssub.s32 @!p0 $0x0, s1;
	[sflag:s0] =	ssyncset.done @!p0 $0x0  }
0x10f: {  	[sflag:s0] =	ssyncadd.s32 @!p0 s1  }
0x110: {  	[bflag:$0x3] =	sbarrier.arrive $0xFFFF  }
0x111: {  	_ =	shalt  }

</sc_bundles>
